<compile_context>
chip_gen: v7x
topology: tpu7x:2x2x1
jax: 0.10.2.dev20260603
libtpu: 0.0.44.dev20260713+nightly
codegen_flags: <defaults>
</compile_context>

<pallas_src>
import functools

import jax
import jax.numpy as jnp
from jax import lax
from jax.experimental import pallas as pl
from jax.experimental.pallas import tpu as pltpu
from jax.experimental.pallas import tpu_sc as plsc

NUM_TABLES = 26
VOCAB = 100000
DIM = 32
BATCH = 16384

NC = 2
NS = 16
L = 16
NW = NC * NS

TOTAL = NUM_TABLES * BATCH

CHUNK = 1024
GATHER = 128
N_GATHER = CHUNK // GATHER
CHUNKS_PER_TABLE = BATCH // CHUNK
N_CHUNKS = TOTAL // (NW * CHUNK)


def _sc_lookup(ids, tables):
    mesh = plsc.VectorSubcoreMesh(core_axis_name="c", subcore_axis_name="s")

    @functools.partial(
        pl.kernel,
        mesh=mesh,
        compiler_params=pltpu.CompilerParams(
            use_tc_tiling_on_sc=False, needs_layout_passes=False,
            allow_input_fusion=[0, 1]
        ),
        out_type=jax.ShapeDtypeStruct((NUM_TABLES, BATCH, DIM), jnp.float32),
        scratch_types=[
            pltpu.VMEM((N_GATHER, GATHER), jnp.int32),
            pltpu.VMEM((CHUNK, DIM), jnp.float32),
            pltpu.SemaphoreType.DMA,
        ],
    )
    def k(ids_hbm, tab_hbm, out_hbm, idx_v, rows_v, sem):
        wid = lax.axis_index("s") * NC + lax.axis_index("c")

        def chunk_body(j, carry):
            c = wid * N_CHUNKS + j
            t = c // CHUNKS_PER_TABLE
            p = (c % CHUNKS_PER_TABLE) * CHUNK

            id_copies = []
            for q in range(N_GATHER):
                id_copies.append(
                    pltpu.make_async_copy(
                        ids_hbm.at[t, pl.ds(p + q * GATHER, GATHER)],
                        idx_v.at[q],
                        sem,
                    )
                )
                id_copies[-1].start()
            for cp in id_copies:
                cp.wait()

            copies = []
            for q in range(N_GATHER):
                copies.append(
                    pltpu.make_async_copy(
                        tab_hbm.at[t].at[idx_v.at[q]],
                        rows_v.at[pl.ds(q * GATHER, GATHER)],
                        sem,
                    )
                )
                copies[-1].start()
            for cp in copies:
                cp.wait()

            pltpu.sync_copy(rows_v, out_hbm.at[t, pl.ds(p, CHUNK)])
            return carry

        lax.fori_loop(0, N_CHUNKS, chunk_body, 0)

    return k(ids, tables)


def kernel(ids, tables):
    return _sc_lookup(ids, tables)

# --- scband reference (transcript-rebuilt; emitter-appended) ---
"""Pipeline reference for scband-embedding-collection-51367808860218 (READ-ONLY COPY).

The authoritative reference and input builder live on the scoring server;
editing this copy changes nothing except your own understanding.
"""

import jax, jax.numpy as jnp
import numpy as np

NUM_TABLES = 26
VOCAB = 100000
DIM = 32
BATCH = 16384


def setup_inputs(seed: int = 0) -> dict:
    key = jax.random.key(seed)
    k_ids, k_tab = jax.random.split(key)
    # features: Dict[str, int ids] modeled as a stacked [NUM_TABLES, BATCH] int tensor;
    # row t corresponds to feature name f{t}.
    ids = jax.random.randint(k_ids, (NUM_TABLES, BATCH), 0, VOCAB, dtype=jnp.int32)
    # learned parameters: one nn.Embed table per feature, all same (vocab, dim);
    # stacked into [NUM_TABLES, VOCAB, DIM].
    tables = jax.random.normal(k_tab, (NUM_TABLES, VOCAB, DIM), dtype=jnp.float32) * 0.02
    return {"ids": ids, "tables": tables}


def reference(ids, tables):
    # EmbeddingCollection.__call__: {name: embed_table[ids] for each feature}
    # Each nn.Embed lookup is table[ids] == jnp.take(table, ids, axis=0).
    # vmap over the table axis performs the per-feature lookups; output row t is
    # the embedding result for feature f{t}: shape [NUM_TABLES, BATCH, DIM].
    out = jax.vmap(lambda table, idx: jnp.take(table, idx, axis=0))(tables, ids)
    return out

if __name__ == "__main__":
    import jax
    _d = setup_inputs()
    print(jax.jit(kernel)(*tuple(_d.values())))

</pallas_src>

<mosaic_0001>
#map = affine_map<(d0, d1) -> (0, 0)>
#map1 = affine_map<(d0, d1) -> (0, 0, 0)>
module attributes {stable_mosaic.version = 14 : i64} {
  func.func @k(%arg0: i32, %arg1: i32, %arg2: memref<26x16384xi32, #tpu.memory_space<hbm>>, %arg3: memref<26x100000x32xf32, #tpu.memory_space<hbm>>, %arg4: memref<26x16384x32xf32, #tpu.memory_space<hbm>>, %arg5: memref<8x128xi32, #tpu.memory_space<vmem>>, %arg6: memref<1024x32xf32, #tpu.memory_space<vmem>>, %arg7: memref<!tpu.dma_semaphore, #tpu.memory_space<semaphore_mem>>) attributes {dimension_semantics = [#tpu.dimension_semantics<core_parallel>, #tpu.dimension_semantics<subcore_parallel>], iteration_bounds = array<i64: 2, 16>, scalar_prefetch = 0 : i64, scratch_operands = 3 : i64, tpu.core_type = #tpu.core_type<sc_vector_subcore>, window_params = [{transform_indices = #map}, {transform_indices = #map1}, {transform_indices = #map1}]} {
    %mul3A = arith.constant 2 : i32
    %mul3A_0 = arith.muli %arg1, %mul3A : i32
    %add3A = arith.addi %mul3A_0, %arg0 : i32
    %scan3A = arith.constant 0 : i32
    %scan3A_1 = arith.constant 0 : i32
    %scan3A_2 = arith.constant 13 : i32
    %scan3A_3 = arith.addi %scan3A_1, %scan3A_2 : i32
    %scan3A_4 = arith.constant 1 : i32
    scf.for %scan3A_6 = %scan3A_1 to %scan3A_3 step %scan3A_4  : i32 {
      %mul3A_7 = arith.constant 13 : i32
      %mul3A_8 = arith.muli %add3A, %mul3A_7 : i32
      %add3A_9 = arith.addi %mul3A_8, %scan3A_6 : i32
      %jit3A = arith.constant 16 : i32
      %div3A = arith.divsi %add3A_9, %jit3A : i32
      %sign3A = arith.constant 0 : i32
      %sign3A_10 = arith.cmpi sgt, %add3A_9, %sign3A : i32
      %sign3A_11 = arith.extui %sign3A_10 : i1 to i32
      %sign3A_12 = arith.constant 0 : i32
      %sign3A_13 = arith.cmpi slt, %add3A_9, %sign3A_12 : i32
      %sign3A_14 = arith.extui %sign3A_13 : i1 to i32
      %sign3A_15 = arith.subi %sign3A_11, %sign3A_14 : i32
      %sign3A_16 = arith.constant 0 : i32
      %sign3A_17 = arith.cmpi sgt, %jit3A, %sign3A_16 : i32
      %sign3A_18 = arith.extui %sign3A_17 : i1 to i32
      %sign3A_19 = arith.constant 0 : i32
      %sign3A_20 = arith.cmpi slt, %jit3A, %sign3A_19 : i32
      %sign3A_21 = arith.extui %sign3A_20 : i1 to i32
      %sign3A_22 = arith.subi %sign3A_18, %sign3A_21 : i32
      %ne3A = arith.cmpi ne, %sign3A_15, %sign3A_22 : i32
      %rem3A = arith.remsi %add3A_9, %jit3A : i32
      %ne3A_23 = arith.constant 0 : i32
      %ne3A_24 = arith.cmpi ne, %rem3A, %ne3A_23 : i32
      %and3A = arith.andi %ne3A, %ne3A_24 : i1
      %sub3A = arith.constant 1 : i32
      %sub3A_25 = arith.subi %div3A, %sub3A : i32
      %select_n3A = arith.select %and3A, %sub3A_25, %div3A : i32
      %jit3A_26 = arith.constant 16 : i32
      %eq3A = arith.constant 0 : i32
      %eq3A_27 = arith.cmpi eq, %jit3A_26, %eq3A : i32
      %jit3A_28 = arith.constant 1 : i32
      %select_n3A_29 = arith.select %eq3A_27, %jit3A_28, %jit3A_26 : i32
      %rem3A_30 = arith.remsi %add3A_9, %select_n3A_29 : i32
      %ne3A_31 = arith.constant 0 : i32
      %ne3A_32 = arith.cmpi ne, %rem3A_30, %ne3A_31 : i32
      %lt3A = arith.constant 0 : i32
      %lt3A_33 = arith.cmpi slt, %rem3A_30, %lt3A : i32
      %lt3A_34 = arith.constant 0 : i32
      %lt3A_35 = arith.cmpi slt, %select_n3A_29, %lt3A_34 : i32
      %ne3A_36 = arith.xori %lt3A_33, %lt3A_35 : i1
      %and3A_37 = arith.andi %ne3A_36, %ne3A_32 : i1
      %add3A_38 = arith.addi %rem3A_30, %select_n3A_29 : i32
      %select_n3A_39 = arith.select %and3A_37, %add3A_38, %rem3A_30 : i32
      %mul3A_40 = arith.constant 1024 : i32
      %mul3A_41 = arith.muli %select_n3A_39, %mul3A_40 : i32
      %add3A_42 = arith.constant 0 : i32
      %add3A_43 = arith.addi %mul3A_41, %add3A_42 : i32
      %dma_start3A = arith.constant 0 : i32
      %dma_start3A_44 = arith.constant 0 : i32
      %dma_start3A_45 = tpu.memref_slice %arg5[%dma_start3A, %dma_start3A_44] : memref<8x128xi32, #tpu.memory_space<vmem>> -> memref<1x128xi32, #tpu.memory_space<vmem>>
      %dma_start3A_46 = tpu.memref_squeeze %dma_start3A_45 : memref<1x128xi32, #tpu.memory_space<vmem>> -> memref<128xi32, #tpu.memory_space<vmem>>
      %dma_start3A_47 = tpu.memref_slice %arg2[%select_n3A, %add3A_43] : memref<26x16384xi32, #tpu.memory_space<hbm>> -> memref<1x128xi32, #tpu.memory_space<hbm>>
      %dma_start3A_48 = tpu.memref_squeeze %dma_start3A_47 : memref<1x128xi32, #tpu.memory_space<hbm>> -> memref<128xi32, #tpu.memory_space<hbm>>
      %dma_start3A_49 = arith.constant 0 : i32
      %dma_start3A_50 = tpu.memref_slice %arg5[%dma_start3A, %dma_start3A_49] : memref<8x128xi32, #tpu.memory_space<vmem>> -> memref<1x128xi32, #tpu.memory_space<vmem>>
      %dma_start3A_51 = tpu.memref_squeeze %dma_start3A_50 : memref<1x128xi32, #tpu.memory_space<vmem>> -> memref<128xi32, #tpu.memory_space<vmem>>
      %dma_start3A_52 = tpu.memref_slice %arg2[%select_n3A, %add3A_43] : memref<26x16384xi32, #tpu.memory_space<hbm>> -> memref<1x128xi32, #tpu.memory_space<hbm>>
      %dma_start3A_53 = tpu.memref_squeeze %dma_start3A_52 : memref<1x128xi32, #tpu.memory_space<hbm>> -> memref<128xi32, #tpu.memory_space<hbm>>
      tpu.enqueue_dma source(%dma_start3A_53 : memref<128xi32, #tpu.memory_space<hbm>>) target(%dma_start3A_51 : memref<128xi32, #tpu.memory_space<vmem>>) target_semaphore(%arg7 : memref<!tpu.dma_semaphore, #tpu.memory_space<semaphore_mem>>)
      %add3A_54 = arith.constant 128 : i32
      %add3A_55 = arith.addi %mul3A_41, %add3A_54 : i32
      %dma_start3A_56 = arith.constant 1 : i32
      %dma_start3A_57 = arith.constant 0 : i32
      %dma_start3A_58 = tpu.memref_slice %arg5[%dma_start3A_56, %dma_start3A_57] : memref<8x128xi32, #tpu.memory_space<vmem>> -> memref<1x128xi32, #tpu.memory_space<vmem>>
      %dma_start3A_59 = tpu.memref_squeeze %dma_start3A_58 : memref<1x128xi32, #tpu.memory_space<vmem>> -> memref<128xi32, #tpu.memory_space<vmem>>
      %dma_start3A_60 = tpu.memref_slice %arg2[%select_n3A, %add3A_55] : memref<26x16384xi32, #tpu.memory_space<hbm>> -> memref<1x128xi32, #tpu.memory_space<hbm>>
      %dma_start3A_61 = tpu.memref_squeeze %dma_start3A_60 : memref<1x128xi32, #tpu.memory_space<hbm>> -> memref<128xi32, #tpu.memory_space<hbm>>
      %dma_start3A_62 = arith.constant 0 : i32
      %dma_start3A_63 = tpu.memref_slice %arg5[%dma_start3A_56, %dma_start3A_62] : memref<8x128xi32, #tpu.memory_space<vmem>> -> memref<1x128xi32, #tpu.memory_space<vmem>>
      %dma_start3A_64 = tpu.memref_squeeze %dma_start3A_63 : memref<1x128xi32, #tpu.memory_space<vmem>> -> memref<128xi32, #tpu.memory_space<vmem>>
      %dma_start3A_65 = tpu.memref_slice %arg2[%select_n3A, %add3A_55] : memref<26x16384xi32, #tpu.memory_space<hbm>> -> memref<1x128xi32, #tpu.memory_space<hbm>>
      %dma_start3A_66 = tpu.memref_squeeze %dma_start3A_65 : memref<1x128xi32, #tpu.memory_space<hbm>> -> memref<128xi32, #tpu.memory_space<hbm>>
      tpu.enqueue_dma source(%dma_start3A_66 : memref<128xi32, #tpu.memory_space<hbm>>) target(%dma_start3A_64 : memref<128xi32, #tpu.memory_space<vmem>>) target_semaphore(%arg7 : memref<!tpu.dma_semaphore, #tpu.memory_space<semaphore_mem>>)
      %add3A_67 = arith.constant 256 : i32
      %add3A_68 = arith.addi %mul3A_41, %add3A_67 : i32
      %dma_start3A_69 = arith.constant 2 : i32
      %dma_start3A_70 = arith.constant 0 : i32
      %dma_start3A_71 = tpu.memref_slice %arg5[%dma_start3A_69, %dma_start3A_70] : memref<8x128xi32, #tpu.memory_space<vmem>> -> memref<1x128xi32, #tpu.memory_space<vmem>>
      %dma_start3A_72 = tpu.memref_squeeze %dma_start3A_71 : memref<1x128xi32, #tpu.memory_space<vmem>> -> memref<128xi32, #tpu.memory_space<vmem>>
      %dma_start3A_73 = tpu.memref_slice %arg2[%select_n3A, %add3A_68] : memref<26x16384xi32, #tpu.memory_space<hbm>> -> memref<1x128xi32, #tpu.memory_space<hbm>>
      %dma_start3A_74 = tpu.memref_squeeze %dma_start3A_73 : memref<1x128xi32, #tpu.memory_space<hbm>> -> memref<128xi32, #tpu.memory_space<hbm>>
      %dma_start3A_75 = arith.constant 0 : i32
      %dma_start3A_76 = tpu.memref_slice %arg5[%dma_start3A_69, %dma_start3A_75] : memref<8x128xi32, #tpu.memory_space<vmem>> -> memref<1x128xi32, #tpu.memory_space<vmem>>
      %dma_start3A_77 = tpu.memref_squeeze %dma_start3A_76 : memref<1x128xi32, #tpu.memory_space<vmem>> -> memref<128xi32, #tpu.memory_space<vmem>>
      %dma_start3A_78 = tpu.memref_slice %arg2[%select_n3A, %add3A_68] : memref<26x16384xi32, #tpu.memory_space<hbm>> -> memref<1x128xi32, #tpu.memory_space<hbm>>
      %dma_start3A_79 = tpu.memref_squeeze %dma_start3A_78 : memref<1x128xi32, #tpu.memory_space<hbm>> -> memref<128xi32, #tpu.memory_space<hbm>>
      tpu.enqueue_dma source(%dma_start3A_79 : memref<128xi32, #tpu.memory_space<hbm>>) target(%dma_start3A_77 : memref<128xi32, #tpu.memory_space<vmem>>) target_semaphore(%arg7 : memref<!tpu.dma_semaphore, #tpu.memory_space<semaphore_mem>>)
      %add3A_80 = arith.constant 384 : i32
      %add3A_81 = arith.addi %mul3A_41, %add3A_80 : i32
      %dma_start3A_82 = arith.constant 3 : i32
      %dma_start3A_83 = arith.constant 0 : i32
      %dma_start3A_84 = tpu.memref_slice %arg5[%dma_start3A_82, %dma_start3A_83] : memref<8x128xi32, #tpu.memory_space<vmem>> -> memref<1x128xi32, #tpu.memory_space<vmem>>
      %dma_start3A_85 = tpu.memref_squeeze %dma_start3A_84 : memref<1x128xi32, #tpu.memory_space<vmem>> -> memref<128xi32, #tpu.memory_space<vmem>>
      %dma_start3A_86 = tpu.memref_slice %arg2[%select_n3A, %add3A_81] : memref<26x16384xi32, #tpu.memory_space<hbm>> -> memref<1x128xi32, #tpu.memory_space<hbm>>
      %dma_start3A_87 = tpu.memref_squeeze %dma_start3A_86 : memref<1x128xi32, #tpu.memory_space<hbm>> -> memref<128xi32, #tpu.memory_space<hbm>>
      %dma_start3A_88 = arith.constant 0 : i32
      %dma_start3A_89 = tpu.memref_slice %arg5[%dma_start3A_82, %dma_start3A_88] : memref<8x128xi32, #tpu.memory_space<vmem>> -> memref<1x128xi32, #tpu.memory_space<vmem>>
      %dma_start3A_90 = tpu.memref_squeeze %dma_start3A_89 : memref<1x128xi32, #tpu.memory_space<vmem>> -> memref<128xi32, #tpu.memory_space<vmem>>
      %dma_start3A_91 = tpu.memref_slice %arg2[%select_n3A, %add3A_81] : memref<26x16384xi32, #tpu.memory_space<hbm>> -> memref<1x128xi32, #tpu.memory_space<hbm>>
      %dma_start3A_92 = tpu.memref_squeeze %dma_start3A_91 : memref<1x128xi32, #tpu.memory_space<hbm>> -> memref<128xi32, #tpu.memory_space<hbm>>
      tpu.enqueue_dma source(%dma_start3A_92 : memref<128xi32, #tpu.memory_space<hbm>>) target(%dma_start3A_90 : memref<128xi32, #tpu.memory_space<vmem>>) target_semaphore(%arg7 : memref<!tpu.dma_semaphore, #tpu.memory_space<semaphore_mem>>)
      %add3A_93 = arith.constant 512 : i32
      %add3A_94 = arith.addi %mul3A_41, %add3A_93 : i32
      %dma_start3A_95 = arith.constant 4 : i32
      %dma_start3A_96 = arith.constant 0 : i32
      %dma_start3A_97 = tpu.memref_slice %arg5[%dma_start3A_95, %dma_start3A_96] : memref<8x128xi32, #tpu.memory_space<vmem>> -> memref<1x128xi32, #tpu.memory_space<vmem>>
      %dma_start3A_98 = tpu.memref_squeeze %dma_start3A_97 : memref<1x128xi32, #tpu.memory_space<vmem>> -> memref<128xi32, #tpu.memory_space<vmem>>
      %dma_start3A_99 = tpu.memref_slice %arg2[%select_n3A, %add3A_94] : memref<26x16384xi32, #tpu.memory_space<hbm>> -> memref<1x128xi32, #tpu.memory_space<hbm>>
      %dma_start3A_100 = tpu.memref_squeeze %dma_start3A_99 : memref<1x128xi32, #tpu.memory_space<hbm>> -> memref<128xi32, #tpu.memory_space<hbm>>
      %dma_start3A_101 = arith.constant 0 : i32
      %dma_start3A_102 = tpu.memref_slice %arg5[%dma_start3A_95, %dma_start3A_101] : memref<8x128xi32, #tpu.memory_space<vmem>> -> memref<1x128xi32, #tpu.memory_space<vmem>>
      %dma_start3A_103 = tpu.memref_squeeze %dma_start3A_102 : memref<1x128xi32, #tpu.memory_space<vmem>> -> memref<128xi32, #tpu.memory_space<vmem>>
      %dma_start3A_104 = tpu.memref_slice %arg2[%select_n3A, %add3A_94] : memref<26x16384xi32, #tpu.memory_space<hbm>> -> memref<1x128xi32, #tpu.memory_space<hbm>>
      %dma_start3A_105 = tpu.memref_squeeze %dma_start3A_104 : memref<1x128xi32, #tpu.memory_space<hbm>> -> memref<128xi32, #tpu.memory_space<hbm>>
      tpu.enqueue_dma source(%dma_start3A_105 : memref<128xi32, #tpu.memory_space<hbm>>) target(%dma_start3A_103 : memref<128xi32, #tpu.memory_space<vmem>>) target_semaphore(%arg7 : memref<!tpu.dma_semaphore, #tpu.memory_space<semaphore_mem>>)
      %add3A_106 = arith.constant 640 : i32
      %add3A_107 = arith.addi %mul3A_41, %add3A_106 : i32
      %dma_start3A_108 = arith.constant 5 : i32
      %dma_start3A_109 = arith.constant 0 : i32
      %dma_start3A_110 = tpu.memref_slice %arg5[%dma_start3A_108, %dma_start3A_109] : memref<8x128xi32, #tpu.memory_space<vmem>> -> memref<1x128xi32, #tpu.memory_space<vmem>>
      %dma_start3A_111 = tpu.memref_squeeze %dma_start3A_110 : memref<1x128xi32, #tpu.memory_space<vmem>> -> memref<128xi32, #tpu.memory_space<vmem>>
      %dma_start3A_112 = tpu.memref_slice %arg2[%select_n3A, %add3A_107] : memref<26x16384xi32, #tpu.memory_space<hbm>> -> memref<1x128xi32, #tpu.memory_space<hbm>>
      %dma_start3A_113 = tpu.memref_squeeze %dma_start3A_112 : memref<1x128xi32, #tpu.memory_space<hbm>> -> memref<128xi32, #tpu.memory_space<hbm>>
      %dma_start3A_114 = arith.constant 0 : i32
      %dma_start3A_115 = tpu.memref_slice %arg5[%dma_start3A_108, %dma_start3A_114] : memref<8x128xi32, #tpu.memory_space<vmem>> -> memref<1x128xi32, #tpu.memory_space<vmem>>
      %dma_start3A_116 = tpu.memref_squeeze %dma_start3A_115 : memref<1x128xi32, #tpu.memory_space<vmem>> -> memref<128xi32, #tpu.memory_space<vmem>>
      %dma_start3A_117 = tpu.memref_slice %arg2[%select_n3A, %add3A_107] : memref<26x16384xi32, #tpu.memory_space<hbm>> -> memref<1x128xi32, #tpu.memory_space<hbm>>
      %dma_start3A_118 = tpu.memref_squeeze %dma_start3A_117 : memref<1x128xi32, #tpu.memory_space<hbm>> -> memref<128xi32, #tpu.memory_space<hbm>>
      tpu.enqueue_dma source(%dma_start3A_118 : memref<128xi32, #tpu.memory_space<hbm>>) target(%dma_start3A_116 : memref<128xi32, #tpu.memory_space<vmem>>) target_semaphore(%arg7 : memref<!tpu.dma_semaphore, #tpu.memory_space<semaphore_mem>>)
      %add3A_119 = arith.constant 768 : i32
      %add3A_120 = arith.addi %mul3A_41, %add3A_119 : i32
      %dma_start3A_121 = arith.constant 6 : i32
      %dma_start3A_122 = arith.constant 0 : i32
      %dma_start3A_123 = tpu.memref_slice %arg5[%dma_start3A_121, %dma_start3A_122] : memref<8x128xi32, #tpu.memory_space<vmem>> -> memref<1x128xi32, #tpu.memory_space<vmem>>
      %dma_start3A_124 = tpu.memref_squeeze %dma_start3A_123 : memref<1x128xi32, #tpu.memory_space<vmem>> -> memref<128xi32, #tpu.memory_space<vmem>>
      %dma_start3A_125 = tpu.memref_slice %arg2[%select_n3A, %add3A_120] : memref<26x16384xi32, #tpu.memory_space<hbm>> -> memref<1x128xi32, #tpu.memory_space<hbm>>
      %dma_start3A_126 = tpu.memref_squeeze %dma_start3A_125 : memref<1x128xi32, #tpu.memory_space<hbm>> -> memref<128xi32, #tpu.memory_space<hbm>>
      %dma_start3A_127 = arith.constant 0 : i32
      %dma_start3A_128 = tpu.memref_slice %arg5[%dma_start3A_121, %dma_start3A_127] : memref<8x128xi32, #tpu.memory_space<vmem>> -> memref<1x128xi32, #tpu.memory_space<vmem>>
      %dma_start3A_129 = tpu.memref_squeeze %dma_start3A_128 : memref<1x128xi32, #tpu.memory_space<vmem>> -> memref<128xi32, #tpu.memory_space<vmem>>
      %dma_start3A_130 = tpu.memref_slice %arg2[%select_n3A, %add3A_120] : memref<26x16384xi32, #tpu.memory_space<hbm>> -> memref<1x128xi32, #tpu.memory_space<hbm>>
      %dma_start3A_131 = tpu.memref_squeeze %dma_start3A_130 : memref<1x128xi32, #tpu.memory_space<hbm>> -> memref<128xi32, #tpu.memory_space<hbm>>
      tpu.enqueue_dma source(%dma_start3A_131 : memref<128xi32, #tpu.memory_space<hbm>>) target(%dma_start3A_129 : memref<128xi32, #tpu.memory_space<vmem>>) target_semaphore(%arg7 : memref<!tpu.dma_semaphore, #tpu.memory_space<semaphore_mem>>)
      %add3A_132 = arith.constant 896 : i32
      %add3A_133 = arith.addi %mul3A_41, %add3A_132 : i32
      %dma_start3A_134 = arith.constant 7 : i32
      %dma_start3A_135 = arith.constant 0 : i32
      %dma_start3A_136 = tpu.memref_slice %arg5[%dma_start3A_134, %dma_start3A_135] : memref<8x128xi32, #tpu.memory_space<vmem>> -> memref<1x128xi32, #tpu.memory_space<vmem>>
      %dma_start3A_137 = tpu.memref_squeeze %dma_start3A_136 : memref<1x128xi32, #tpu.memory_space<vmem>> -> memref<128xi32, #tpu.memory_space<vmem>>
      %dma_start3A_138 = tpu.memref_slice %arg2[%select_n3A, %add3A_133] : memref<26x16384xi32, #tpu.memory_space<hbm>> -> memref<1x128xi32, #tpu.memory_space<hbm>>
      %dma_start3A_139 = tpu.memref_squeeze %dma_start3A_138 : memref<1x128xi32, #tpu.memory_space<hbm>> -> memref<128xi32, #tpu.memory_space<hbm>>
      %dma_start3A_140 = arith.constant 0 : i32
      %dma_start3A_141 = tpu.memref_slice %arg5[%dma_start3A_134, %dma_start3A_140] : memref<8x128xi32, #tpu.memory_space<vmem>> -> memref<1x128xi32, #tpu.memory_space<vmem>>
      %dma_start3A_142 = tpu.memref_squeeze %dma_start3A_141 : memref<1x128xi32, #tpu.memory_space<vmem>> -> memref<128xi32, #tpu.memory_space<vmem>>
      %dma_start3A_143 = tpu.memref_slice %arg2[%select_n3A, %add3A_133] : memref<26x16384xi32, #tpu.memory_space<hbm>> -> memref<1x128xi32, #tpu.memory_space<hbm>>
      %dma_start3A_144 = tpu.memref_squeeze %dma_start3A_143 : memref<1x128xi32, #tpu.memory_space<hbm>> -> memref<128xi32, #tpu.memory_space<hbm>>
      tpu.enqueue_dma source(%dma_start3A_144 : memref<128xi32, #tpu.memory_space<hbm>>) target(%dma_start3A_142 : memref<128xi32, #tpu.memory_space<vmem>>) target_semaphore(%arg7 : memref<!tpu.dma_semaphore, #tpu.memory_space<semaphore_mem>>)
      %dma_wait3A = arith.constant 0 : i32
      %dma_wait3A_145 = arith.constant 0 : i32
      %dma_wait3A_146 = tpu.memref_slice %arg5[%dma_wait3A, %dma_wait3A_145] : memref<8x128xi32, #tpu.memory_space<vmem>> -> memref<1x128xi32, #tpu.memory_space<vmem>>
      %dma_wait3A_147 = tpu.memref_squeeze %dma_wait3A_146 : memref<1x128xi32, #tpu.memory_space<vmem>> -> memref<128xi32, #tpu.memory_space<vmem>>
      %dma_wait3A_148 = tpu.memref_slice %arg2[%select_n3A, %add3A_43] : memref<26x16384xi32, #tpu.memory_space<hbm>> -> memref<1x128xi32, #tpu.memory_space<hbm>>
      %dma_wait3A_149 = tpu.memref_squeeze %dma_wait3A_148 : memref<1x128xi32, #tpu.memory_space<hbm>> -> memref<128xi32, #tpu.memory_space<hbm>>
      %dma_wait3A_150 = arith.constant 0 : i32
      %dma_wait3A_151 = tpu.memref_slice %arg5[%dma_wait3A, %dma_wait3A_150] : memref<8x128xi32, #tpu.memory_space<vmem>> -> memref<1x128xi32, #tpu.memory_space<vmem>>
      %dma_wait3A_152 = tpu.memref_squeeze %dma_wait3A_151 : memref<1x128xi32, #tpu.memory_space<vmem>> -> memref<128xi32, #tpu.memory_space<vmem>>
      %dma_wait3A_153 = tpu.memref_slice %arg2[%select_n3A, %add3A_43] : memref<26x16384xi32, #tpu.memory_space<hbm>> -> memref<1x128xi32, #tpu.memory_space<hbm>>
      %dma_wait3A_154 = tpu.memref_squeeze %dma_wait3A_153 : memref<1x128xi32, #tpu.memory_space<hbm>> -> memref<128xi32, #tpu.memory_space<hbm>>
      tpu.wait_dma2 semaphore(%arg7 : memref<!tpu.dma_semaphore, #tpu.memory_space<semaphore_mem>>) src(%dma_wait3A_154 : memref<128xi32, #tpu.memory_space<hbm>>) dst(%dma_wait3A_152 : memref<128xi32, #tpu.memory_space<vmem>>)
      %dma_wait3A_155 = arith.constant 1 : i32
      %dma_wait3A_156 = arith.constant 0 : i32
      %dma_wait3A_157 = tpu.memref_slice %arg5[%dma_wait3A_155, %dma_wait3A_156] : memref<8x128xi32, #tpu.memory_space<vmem>> -> memref<1x128xi32, #tpu.memory_space<vmem>>
      %dma_wait3A_158 = tpu.memref_squeeze %dma_wait3A_157 : memref<1x128xi32, #tpu.memory_space<vmem>> -> memref<128xi32, #tpu.memory_space<vmem>>
      %dma_wait3A_159 = tpu.memref_slice %arg2[%select_n3A, %add3A_55] : memref<26x16384xi32, #tpu.memory_space<hbm>> -> memref<1x128xi32, #tpu.memory_space<hbm>>
      %dma_wait3A_160 = tpu.memref_squeeze %dma_wait3A_159 : memref<1x128xi32, #tpu.memory_space<hbm>> -> memref<128xi32, #tpu.memory_space<hbm>>
      %dma_wait3A_161 = arith.constant 0 : i32
      %dma_wait3A_162 = tpu.memref_slice %arg5[%dma_wait3A_155, %dma_wait3A_161] : memref<8x128xi32, #tpu.memory_space<vmem>> -> memref<1x128xi32, #tpu.memory_space<vmem>>
      %dma_wait3A_163 = tpu.memref_squeeze %dma_wait3A_162 : memref<1x128xi32, #tpu.memory_space<vmem>> -> memref<128xi32, #tpu.memory_space<vmem>>
      %dma_wait3A_164 = tpu.memref_slice %arg2[%select_n3A, %add3A_55] : memref<26x16384xi32, #tpu.memory_space<hbm>> -> memref<1x128xi32, #tpu.memory_space<hbm>>
      %dma_wait3A_165 = tpu.memref_squeeze %dma_wait3A_164 : memref<1x128xi32, #tpu.memory_space<hbm>> -> memref<128xi32, #tpu.memory_space<hbm>>
      tpu.wait_dma2 semaphore(%arg7 : memref<!tpu.dma_semaphore, #tpu.memory_space<semaphore_mem>>) src(%dma_wait3A_165 : memref<128xi32, #tpu.memory_space<hbm>>) dst(%dma_wait3A_163 : memref<128xi32, #tpu.memory_space<vmem>>)
      %dma_wait3A_166 = arith.constant 2 : i32
      %dma_wait3A_167 = arith.constant 0 : i32
      %dma_wait3A_168 = tpu.memref_slice %arg5[%dma_wait3A_166, %dma_wait3A_167] : memref<8x128xi32, #tpu.memory_space<vmem>> -> memref<1x128xi32, #tpu.memory_space<vmem>>
      %dma_wait3A_169 = tpu.memref_squeeze %dma_wait3A_168 : memref<1x128xi32, #tpu.memory_space<vmem>> -> memref<128xi32, #tpu.memory_space<vmem>>
      %dma_wait3A_170 = tpu.memref_slice %arg2[%select_n3A, %add3A_68] : memref<26x16384xi32, #tpu.memory_space<hbm>> -> memref<1x128xi32, #tpu.memory_space<hbm>>
      %dma_wait3A_171 = tpu.memref_squeeze %dma_wait3A_170 : memref<1x128xi32, #tpu.memory_space<hbm>> -> memref<128xi32, #tpu.memory_space<hbm>>
      %dma_wait3A_172 = arith.constant 0 : i32
      %dma_wait3A_173 = tpu.memref_slice %arg5[%dma_wait3A_166, %dma_wait3A_172] : memref<8x128xi32, #tpu.memory_space<vmem>> -> memref<1x128xi32, #tpu.memory_space<vmem>>
      %dma_wait3A_174 = tpu.memref_squeeze %dma_wait3A_173 : memref<1x128xi32, #tpu.memory_space<vmem>> -> memref<128xi32, #tpu.memory_space<vmem>>
      %dma_wait3A_175 = tpu.memref_slice %arg2[%select_n3A, %add3A_68] : memref<26x16384xi32, #tpu.memory_space<hbm>> -> memref<1x128xi32, #tpu.memory_space<hbm>>
      %dma_wait3A_176 = tpu.memref_squeeze %dma_wait3A_175 : memref<1x128xi32, #tpu.memory_space<hbm>> -> memref<128xi32, #tpu.memory_space<hbm>>
      tpu.wait_dma2 semaphore(%arg7 : memref<!tpu.dma_semaphore, #tpu.memory_space<semaphore_mem>>) src(%dma_wait3A_176 : memref<128xi32, #tpu.memory_space<hbm>>) dst(%dma_wait3A_174 : memref<128xi32, #tpu.memory_space<vmem>>)
      %dma_wait3A_177 = arith.constant 3 : i32
      %dma_wait3A_178 = arith.constant 0 : i32
      %dma_wait3A_179 = tpu.memref_slice %arg5[%dma_wait3A_177, %dma_wait3A_178] : memref<8x128xi32, #tpu.memory_space<vmem>> -> memref<1x128xi32, #tpu.memory_space<vmem>>
      %dma_wait3A_180 = tpu.memref_squeeze %dma_wait3A_179 : memref<1x128xi32, #tpu.memory_space<vmem>> -> memref<128xi32, #tpu.memory_space<vmem>>
      %dma_wait3A_181 = tpu.memref_slice %arg2[%select_n3A, %add3A_81] : memref<26x16384xi32, #tpu.memory_space<hbm>> -> memref<1x128xi32, #tpu.memory_space<hbm>>
      %dma_wait3A_182 = tpu.memref_squeeze %dma_wait3A_181 : memref<1x128xi32, #tpu.memory_space<hbm>> -> memref<128xi32, #tpu.memory_space<hbm>>
      %dma_wait3A_183 = arith.constant 0 : i32
      %dma_wait3A_184 = tpu.memref_slice %arg5[%dma_wait3A_177, %dma_wait3A_183] : memref<8x128xi32, #tpu.memory_space<vmem>> -> memref<1x128xi32, #tpu.memory_space<vmem>>
      %dma_wait3A_185 = tpu.memref_squeeze %dma_wait3A_184 : memref<1x128xi32, #tpu.memory_space<vmem>> -> memref<128xi32, #tpu.memory_space<vmem>>
      %dma_wait3A_186 = tpu.memref_slice %arg2[%select_n3A, %add3A_81] : memref<26x16384xi32, #tpu.memory_space<hbm>> -> memref<1x128xi32, #tpu.memory_space<hbm>>
      %dma_wait3A_187 = tpu.memref_squeeze %dma_wait3A_186 : memref<1x128xi32, #tpu.memory_space<hbm>> -> memref<128xi32, #tpu.memory_space<hbm>>
      tpu.wait_dma2 semaphore(%arg7 : memref<!tpu.dma_semaphore, #tpu.memory_space<semaphore_mem>>) src(%dma_wait3A_187 : memref<128xi32, #tpu.memory_space<hbm>>) dst(%dma_wait3A_185 : memref<128xi32, #tpu.memory_space<vmem>>)
      %dma_wait3A_188 = arith.constant 4 : i32
      %dma_wait3A_189 = arith.constant 0 : i32
      %dma_wait3A_190 = tpu.memref_slice %arg5[%dma_wait3A_188, %dma_wait3A_189] : memref<8x128xi32, #tpu.memory_space<vmem>> -> memref<1x128xi32, #tpu.memory_space<vmem>>
      %dma_wait3A_191 = tpu.memref_squeeze %dma_wait3A_190 : memref<1x128xi32, #tpu.memory_space<vmem>> -> memref<128xi32, #tpu.memory_space<vmem>>
      %dma_wait3A_192 = tpu.memref_slice %arg2[%select_n3A, %add3A_94] : memref<26x16384xi32, #tpu.memory_space<hbm>> -> memref<1x128xi32, #tpu.memory_space<hbm>>
      %dma_wait3A_193 = tpu.memref_squeeze %dma_wait3A_192 : memref<1x128xi32, #tpu.memory_space<hbm>> -> memref<128xi32, #tpu.memory_space<hbm>>
      %dma_wait3A_194 = arith.constant 0 : i32
      %dma_wait3A_195 = tpu.memref_slice %arg5[%dma_wait3A_188, %dma_wait3A_194] : memref<8x128xi32, #tpu.memory_space<vmem>> -> memref<1x128xi32, #tpu.memory_space<vmem>>
      %dma_wait3A_196 = tpu.memref_squeeze %dma_wait3A_195 : memref<1x128xi32, #tpu.memory_space<vmem>> -> memref<128xi32, #tpu.memory_space<vmem>>
      %dma_wait3A_197 = tpu.memref_slice %arg2[%select_n3A, %add3A_94] : memref<26x16384xi32, #tpu.memory_space<hbm>> -> memref<1x128xi32, #tpu.memory_space<hbm>>
      %dma_wait3A_198 = tpu.memref_squeeze %dma_wait3A_197 : memref<1x128xi32, #tpu.memory_space<hbm>> -> memref<128xi32, #tpu.memory_space<hbm>>
      tpu.wait_dma2 semaphore(%arg7 : memref<!tpu.dma_semaphore, #tpu.memory_space<semaphore_mem>>) src(%dma_wait3A_198 : memref<128xi32, #tpu.memory_space<hbm>>) dst(%dma_wait3A_196 : memref<128xi32, #tpu.memory_space<vmem>>)
      %dma_wait3A_199 = arith.constant 5 : i32
      %dma_wait3A_200 = arith.constant 0 : i32
      %dma_wait3A_201 = tpu.memref_slice %arg5[%dma_wait3A_199, %dma_wait3A_200] : memref<8x128xi32, #tpu.memory_space<vmem>> -> memref<1x128xi32, #tpu.memory_space<vmem>>
      %dma_wait3A_202 = tpu.memref_squeeze %dma_wait3A_201 : memref<1x128xi32, #tpu.memory_space<vmem>> -> memref<128xi32, #tpu.memory_space<vmem>>
      %dma_wait3A_203 = tpu.memref_slice %arg2[%select_n3A, %add3A_107] : memref<26x16384xi32, #tpu.memory_space<hbm>> -> memref<1x128xi32, #tpu.memory_space<hbm>>
      %dma_wait3A_204 = tpu.memref_squeeze %dma_wait3A_203 : memref<1x128xi32, #tpu.memory_space<hbm>> -> memref<128xi32, #tpu.memory_space<hbm>>
      %dma_wait3A_205 = arith.constant 0 : i32
      %dma_wait3A_206 = tpu.memref_slice %arg5[%dma_wait3A_199, %dma_wait3A_205] : memref<8x128xi32, #tpu.memory_space<vmem>> -> memref<1x128xi32, #tpu.memory_space<vmem>>
      %dma_wait3A_207 = tpu.memref_squeeze %dma_wait3A_206 : memref<1x128xi32, #tpu.memory_space<vmem>> -> memref<128xi32, #tpu.memory_space<vmem>>
      %dma_wait3A_208 = tpu.memref_slice %arg2[%select_n3A, %add3A_107] : memref<26x16384xi32, #tpu.memory_space<hbm>> -> memref<1x128xi32, #tpu.memory_space<hbm>>
      %dma_wait3A_209 = tpu.memref_squeeze %dma_wait3A_208 : memref<1x128xi32, #tpu.memory_space<hbm>> -> memref<128xi32, #tpu.memory_space<hbm>>
      tpu.wait_dma2 semaphore(%arg7 : memref<!tpu.dma_semaphore, #tpu.memory_space<semaphore_mem>>) src(%dma_wait3A_209 : memref<128xi32, #tpu.memory_space<hbm>>) dst(%dma_wait3A_207 : memref<128xi32, #tpu.memory_space<vmem>>)
      %dma_wait3A_210 = arith.constant 6 : i32
      %dma_wait3A_211 = arith.constant 0 : i32
      %dma_wait3A_212 = tpu.memref_slice %arg5[%dma_wait3A_210, %dma_wait3A_211] : memref<8x128xi32, #tpu.memory_space<vmem>> -> memref<1x128xi32, #tpu.memory_space<vmem>>
      %dma_wait3A_213 = tpu.memref_squeeze %dma_wait3A_212 : memref<1x128xi32, #tpu.memory_space<vmem>> -> memref<128xi32, #tpu.memory_space<vmem>>
      %dma_wait3A_214 = tpu.memref_slice %arg2[%select_n3A, %add3A_120] : memref<26x16384xi32, #tpu.memory_space<hbm>> -> memref<1x128xi32, #tpu.memory_space<hbm>>
      %dma_wait3A_215 = tpu.memref_squeeze %dma_wait3A_214 : memref<1x128xi32, #tpu.memory_space<hbm>> -> memref<128xi32, #tpu.memory_space<hbm>>
      %dma_wait3A_216 = arith.constant 0 : i32
      %dma_wait3A_217 = tpu.memref_slice %arg5[%dma_wait3A_210, %dma_wait3A_216] : memref<8x128xi32, #tpu.memory_space<vmem>> -> memref<1x128xi32, #tpu.memory_space<vmem>>
      %dma_wait3A_218 = tpu.memref_squeeze %dma_wait3A_217 : memref<1x128xi32, #tpu.memory_space<vmem>> -> memref<128xi32, #tpu.memory_space<vmem>>
      %dma_wait3A_219 = tpu.memref_slice %arg2[%select_n3A, %add3A_120] : memref<26x16384xi32, #tpu.memory_space<hbm>> -> memref<1x128xi32, #tpu.memory_space<hbm>>
      %dma_wait3A_220 = tpu.memref_squeeze %dma_wait3A_219 : memref<1x128xi32, #tpu.memory_space<hbm>> -> memref<128xi32, #tpu.memory_space<hbm>>
      tpu.wait_dma2 semaphore(%arg7 : memref<!tpu.dma_semaphore, #tpu.memory_space<semaphore_mem>>) src(%dma_wait3A_220 : memref<128xi32, #tpu.memory_space<hbm>>) dst(%dma_wait3A_218 : memref<128xi32, #tpu.memory_space<vmem>>)
      %dma_wait3A_221 = arith.constant 7 : i32
      %dma_wait3A_222 = arith.constant 0 : i32
      %dma_wait3A_223 = tpu.memref_slice %arg5[%dma_wait3A_221, %dma_wait3A_222] : memref<8x128xi32, #tpu.memory_space<vmem>> -> memref<1x128xi32, #tpu.memory_space<vmem>>
      %dma_wait3A_224 = tpu.memref_squeeze %dma_wait3A_223 : memref<1x128xi32, #tpu.memory_space<vmem>> -> memref<128xi32, #tpu.memory_space<vmem>>
      %dma_wait3A_225 = tpu.memref_slice %arg2[%select_n3A, %add3A_133] : memref<26x16384xi32, #tpu.memory_space<hbm>> -> memref<1x128xi32, #tpu.memory_space<hbm>>
      %dma_wait3A_226 = tpu.memref_squeeze %dma_wait3A_225 : memref<1x128xi32, #tpu.memory_space<hbm>> -> memref<128xi32, #tpu.memory_space<hbm>>
      %dma_wait3A_227 = arith.constant 0 : i32
      %dma_wait3A_228 = tpu.memref_slice %arg5[%dma_wait3A_221, %dma_wait3A_227] : memref<8x128xi32, #tpu.memory_space<vmem>> -> memref<1x128xi32, #tpu.memory_space<vmem>>
      %dma_wait3A_229 = tpu.memref_squeeze %dma_wait3A_228 : memref<1x128xi32, #tpu.memory_space<vmem>> -> memref<128xi32, #tpu.memory_space<vmem>>
      %dma_wait3A_230 = tpu.memref_slice %arg2[%select_n3A, %add3A_133] : memref<26x16384xi32, #tpu.memory_space<hbm>> -> memref<1x128xi32, #tpu.memory_space<hbm>>
      %dma_wait3A_231 = tpu.memref_squeeze %dma_wait3A_230 : memref<1x128xi32, #tpu.memory_space<hbm>> -> memref<128xi32, #tpu.memory_space<hbm>>
      tpu.wait_dma2 semaphore(%arg7 : memref<!tpu.dma_semaphore, #tpu.memory_space<semaphore_mem>>) src(%dma_wait3A_231 : memref<128xi32, #tpu.memory_space<hbm>>) dst(%dma_wait3A_229 : memref<128xi32, #tpu.memory_space<vmem>>)
      %dma_start3A_232 = arith.constant 0 : i32
      %dma_start3A_233 = arith.constant 0 : i32
      %dma_start3A_234 = arith.constant 0 : i32
      %dma_start3A_235 = tpu.memref_slice %arg6[%dma_start3A_233, %dma_start3A_234] : memref<1024x32xf32, #tpu.memory_space<vmem>> -> memref<128x32xf32, #tpu.memory_space<vmem>>
      %dma_start3A_236 = arith.constant 0 : i32
      %dma_start3A_237 = tpu.memref_slice %arg5[%dma_start3A_232, %dma_start3A_236] : memref<8x128xi32, #tpu.memory_space<vmem>> -> memref<1x128xi32, #tpu.memory_space<vmem>>
      %dma_start3A_238 = tpu.memref_squeeze %dma_start3A_237 : memref<1x128xi32, #tpu.memory_space<vmem>> -> memref<128xi32, #tpu.memory_space<vmem>>
      %dma_start3A_239 = arith.constant 0 : i32
      %dma_start3A_240 = arith.constant 0 : i32
      %dma_start3A_241 = tpu.memref_slice %arg3[%select_n3A, %dma_start3A_239, %dma_start3A_240] : memref<26x100000x32xf32, #tpu.memory_space<hbm>> -> memref<1x100000x32xf32, #tpu.memory_space<hbm>>
      %dma_start3A_242 = tpu.memref_squeeze %dma_start3A_241 : memref<1x100000x32xf32, #tpu.memory_space<hbm>> -> memref<100000x32xf32, #tpu.memory_space<hbm>>
      %dma_start3A_243 = arith.constant 0 : i32
      %dma_start3A_244 = arith.constant 0 : i32
      %dma_start3A_245 = tpu.memref_slice %dma_start3A_242[%dma_start3A_243, %dma_start3A_244] : memref<100000x32xf32, #tpu.memory_space<hbm>> -> memref<100000x32xf32, #tpu.memory_space<hbm>>
      tpu.enqueue_indirect_dma source(%dma_start3A_245 : memref<100000x32xf32, #tpu.memory_space<hbm>>) target(%dma_start3A_235 : memref<128x32xf32, #tpu.memory_space<vmem>>) offsets(%dma_start3A_238 : memref<128xi32, #tpu.memory_space<vmem>>) semaphore(%arg7 : memref<!tpu.dma_semaphore, #tpu.memory_space<semaphore_mem>>)
      %dma_start3A_246 = arith.constant 1 : i32
      %dma_start3A_247 = arith.constant 128 : i32
      %dma_start3A_248 = arith.constant 0 : i32
      %dma_start3A_249 = tpu.memref_slice %arg6[%dma_start3A_247, %dma_start3A_248] : memref<1024x32xf32, #tpu.memory_space<vmem>> -> memref<128x32xf32, #tpu.memory_space<vmem>>
      %dma_start3A_250 = arith.constant 0 : i32
      %dma_start3A_251 = tpu.memref_slice %arg5[%dma_start3A_246, %dma_start3A_250] : memref<8x128xi32, #tpu.memory_space<vmem>> -> memref<1x128xi32, #tpu.memory_space<vmem>>
      %dma_start3A_252 = tpu.memref_squeeze %dma_start3A_251 : memref<1x128xi32, #tpu.memory_space<vmem>> -> memref<128xi32, #tpu.memory_space<vmem>>
      %dma_start3A_253 = arith.constant 0 : i32
      %dma_start3A_254 = arith.constant 0 : i32
      %dma_start3A_255 = tpu.memref_slice %arg3[%select_n3A, %dma_start3A_253, %dma_start3A_254] : memref<26x100000x32xf32, #tpu.memory_space<hbm>> -> memref<1x100000x32xf32, #tpu.memory_space<hbm>>
      %dma_start3A_256 = tpu.memref_squeeze %dma_start3A_255 : memref<1x100000x32xf32, #tpu.memory_space<hbm>> -> memref<100000x32xf32, #tpu.memory_space<hbm>>
      %dma_start3A_257 = arith.constant 0 : i32
      %dma_start3A_258 = arith.constant 0 : i32
      %dma_start3A_259 = tpu.memref_slice %dma_start3A_256[%dma_start3A_257, %dma_start3A_258] : memref<100000x32xf32, #tpu.memory_space<hbm>> -> memref<100000x32xf32, #tpu.memory_space<hbm>>
      tpu.enqueue_indirect_dma source(%dma_start3A_259 : memref<100000x32xf32, #tpu.memory_space<hbm>>) target(%dma_start3A_249 : memref<128x32xf32, #tpu.memory_space<vmem>>) offsets(%dma_start3A_252 : memref<128xi32, #tpu.memory_space<vmem>>) semaphore(%arg7 : memref<!tpu.dma_semaphore, #tpu.memory_space<semaphore_mem>>)
      %dma_start3A_260 = arith.constant 2 : i32
      %dma_start3A_261 = arith.constant 256 : i32
      %dma_start3A_262 = arith.constant 0 : i32
      %dma_start3A_263 = tpu.memref_slice %arg6[%dma_start3A_261, %dma_start3A_262] : memref<1024x32xf32, #tpu.memory_space<vmem>> -> memref<128x32xf32, #tpu.memory_space<vmem>>
      %dma_start3A_264 = arith.constant 0 : i32
      %dma_start3A_265 = tpu.memref_slice %arg5[%dma_start3A_260, %dma_start3A_264] : memref<8x128xi32, #tpu.memory_space<vmem>> -> memref<1x128xi32, #tpu.memory_space<vmem>>
      %dma_start3A_266 = tpu.memref_squeeze %dma_start3A_265 : memref<1x128xi32, #tpu.memory_space<vmem>> -> memref<128xi32, #tpu.memory_space<vmem>>
      %dma_start3A_267 = arith.constant 0 : i32
      %dma_start3A_268 = arith.constant 0 : i32
      %dma_start3A_269 = tpu.memref_slice %arg3[%select_n3A, %dma_start3A_267, %dma_start3A_268] : memref<26x100000x32xf32, #tpu.memory_space<hbm>> -> memref<1x100000x32xf32, #tpu.memory_space<hbm>>
      %dma_start3A_270 = tpu.memref_squeeze %dma_start3A_269 : memref<1x100000x32xf32, #tpu.memory_space<hbm>> -> memref<100000x32xf32, #tpu.memory_space<hbm>>
      %dma_start3A_271 = arith.constant 0 : i32
      %dma_start3A_272 = arith.constant 0 : i32
      %dma_start3A_273 = tpu.memref_slice %dma_start3A_270[%dma_start3A_271, %dma_start3A_272] : memref<100000x32xf32, #tpu.memory_space<hbm>> -> memref<100000x32xf32, #tpu.memory_space<hbm>>
      tpu.enqueue_indirect_dma source(%dma_start3A_273 : memref<100000x32xf32, #tpu.memory_space<hbm>>) target(%dma_start3A_263 : memref<128x32xf32, #tpu.memory_space<vmem>>) offsets(%dma_start3A_266 : memref<128xi32, #tpu.memory_space<vmem>>) semaphore(%arg7 : memref<!tpu.dma_semaphore, #tpu.memory_space<semaphore_mem>>)
      %dma_start3A_274 = arith.constant 3 : i32
      %dma_start3A_275 = arith.constant 384 : i32
      %dma_start3A_276 = arith.constant 0 : i32
      %dma_start3A_277 = tpu.memref_slice %arg6[%dma_start3A_275, %dma_start3A_276] : memref<1024x32xf32, #tpu.memory_space<vmem>> -> memref<128x32xf32, #tpu.memory_space<vmem>>
      %dma_start3A_278 = arith.constant 0 : i32
      %dma_start3A_279 = tpu.memref_slice %arg5[%dma_start3A_274, %dma_start3A_278] : memref<8x128xi32, #tpu.memory_space<vmem>> -> memref<1x128xi32, #tpu.memory_space<vmem>>
      %dma_start3A_280 = tpu.memref_squeeze %dma_start3A_279 : memref<1x128xi32, #tpu.memory_space<vmem>> -> memref<128xi32, #tpu.memory_space<vmem>>
      %dma_start3A_281 = arith.constant 0 : i32
      %dma_start3A_282 = arith.constant 0 : i32
      %dma_start3A_283 = tpu.memref_slice %arg3[%select_n3A, %dma_start3A_281, %dma_start3A_282] : memref<26x100000x32xf32, #tpu.memory_space<hbm>> -> memref<1x100000x32xf32, #tpu.memory_space<hbm>>
      %dma_start3A_284 = tpu.memref_squeeze %dma_start3A_283 : memref<1x100000x32xf32, #tpu.memory_space<hbm>> -> memref<100000x32xf32, #tpu.memory_space<hbm>>
      %dma_start3A_285 = arith.constant 0 : i32
      %dma_start3A_286 = arith.constant 0 : i32
      %dma_start3A_287 = tpu.memref_slice %dma_start3A_284[%dma_start3A_285, %dma_start3A_286] : memref<100000x32xf32, #tpu.memory_space<hbm>> -> memref<100000x32xf32, #tpu.memory_space<hbm>>
      tpu.enqueue_indirect_dma source(%dma_start3A_287 : memref<100000x32xf32, #tpu.memory_space<hbm>>) target(%dma_start3A_277 : memref<128x32xf32, #tpu.memory_space<vmem>>) offsets(%dma_start3A_280 : memref<128xi32, #tpu.memory_space<vmem>>) semaphore(%arg7 : memref<!tpu.dma_semaphore, #tpu.memory_space<semaphore_mem>>)
      %dma_start3A_288 = arith.constant 4 : i32
      %dma_start3A_289 = arith.constant 512 : i32
      %dma_start3A_290 = arith.constant 0 : i32
      %dma_start3A_291 = tpu.memref_slice %arg6[%dma_start3A_289, %dma_start3A_290] : memref<1024x32xf32, #tpu.memory_space<vmem>> -> memref<128x32xf32, #tpu.memory_space<vmem>>
      %dma_start3A_292 = arith.constant 0 : i32
      %dma_start3A_293 = tpu.memref_slice %arg5[%dma_start3A_288, %dma_start3A_292] : memref<8x128xi32, #tpu.memory_space<vmem>> -> memref<1x128xi32, #tpu.memory_space<vmem>>
      %dma_start3A_294 = tpu.memref_squeeze %dma_start3A_293 : memref<1x128xi32, #tpu.memory_space<vmem>> -> memref<128xi32, #tpu.memory_space<vmem>>
      %dma_start3A_295 = arith.constant 0 : i32
      %dma_start3A_296 = arith.constant 0 : i32
      %dma_start3A_297 = tpu.memref_slice %arg3[%select_n3A, %dma_start3A_295, %dma_start3A_296] : memref<26x100000x32xf32, #tpu.memory_space<hbm>> -> memref<1x100000x32xf32, #tpu.memory_space<hbm>>
      %dma_start3A_298 = tpu.memref_squeeze %dma_start3A_297 : memref<1x100000x32xf32, #tpu.memory_space<hbm>> -> memref<100000x32xf32, #tpu.memory_space<hbm>>
      %dma_start3A_299 = arith.constant 0 : i32
      %dma_start3A_300 = arith.constant 0 : i32
      %dma_start3A_301 = tpu.memref_slice %dma_start3A_298[%dma_start3A_299, %dma_start3A_300] : memref<100000x32xf32, #tpu.memory_space<hbm>> -> memref<100000x32xf32, #tpu.memory_space<hbm>>
      tpu.enqueue_indirect_dma source(%dma_start3A_301 : memref<100000x32xf32, #tpu.memory_space<hbm>>) target(%dma_start3A_291 : memref<128x32xf32, #tpu.memory_space<vmem>>) offsets(%dma_start3A_294 : memref<128xi32, #tpu.memory_space<vmem>>) semaphore(%arg7 : memref<!tpu.dma_semaphore, #tpu.memory_space<semaphore_mem>>)
      %dma_start3A_302 = arith.constant 5 : i32
      %dma_start3A_303 = arith.constant 640 : i32
      %dma_start3A_304 = arith.constant 0 : i32
      %dma_start3A_305 = tpu.memref_slice %arg6[%dma_start3A_303, %dma_start3A_304] : memref<1024x32xf32, #tpu.memory_space<vmem>> -> memref<128x32xf32, #tpu.memory_space<vmem>>
      %dma_start3A_306 = arith.constant 0 : i32
      %dma_start3A_307 = tpu.memref_slice %arg5[%dma_start3A_302, %dma_start3A_306] : memref<8x128xi32, #tpu.memory_space<vmem>> -> memref<1x128xi32, #tpu.memory_space<vmem>>
      %dma_start3A_308 = tpu.memref_squeeze %dma_start3A_307 : memref<1x128xi32, #tpu.memory_space<vmem>> -> memref<128xi32, #tpu.memory_space<vmem>>
      %dma_start3A_309 = arith.constant 0 : i32
      %dma_start3A_310 = arith.constant 0 : i32
      %dma_start3A_311 = tpu.memref_slice %arg3[%select_n3A, %dma_start3A_309, %dma_start3A_310] : memref<26x100000x32xf32, #tpu.memory_space<hbm>> -> memref<1x100000x32xf32, #tpu.memory_space<hbm>>
      %dma_start3A_312 = tpu.memref_squeeze %dma_start3A_311 : memref<1x100000x32xf32, #tpu.memory_space<hbm>> -> memref<100000x32xf32, #tpu.memory_space<hbm>>
      %dma_start3A_313 = arith.constant 0 : i32
      %dma_start3A_314 = arith.constant 0 : i32
      %dma_start3A_315 = tpu.memref_slice %dma_start3A_312[%dma_start3A_313, %dma_start3A_314] : memref<100000x32xf32, #tpu.memory_space<hbm>> -> memref<100000x32xf32, #tpu.memory_space<hbm>>
      tpu.enqueue_indirect_dma source(%dma_start3A_315 : memref<100000x32xf32, #tpu.memory_space<hbm>>) target(%dma_start3A_305 : memref<128x32xf32, #tpu.memory_space<vmem>>) offsets(%dma_start3A_308 : memref<128xi32, #tpu.memory_space<vmem>>) semaphore(%arg7 : memref<!tpu.dma_semaphore, #tpu.memory_space<semaphore_mem>>)
      %dma_start3A_316 = arith.constant 6 : i32
      %dma_start3A_317 = arith.constant 768 : i32
      %dma_start3A_318 = arith.constant 0 : i32
      %dma_start3A_319 = tpu.memref_slice %arg6[%dma_start3A_317, %dma_start3A_318] : memref<1024x32xf32, #tpu.memory_space<vmem>> -> memref<128x32xf32, #tpu.memory_space<vmem>>
      %dma_start3A_320 = arith.constant 0 : i32
      %dma_start3A_321 = tpu.memref_slice %arg5[%dma_start3A_316, %dma_start3A_320] : memref<8x128xi32, #tpu.memory_space<vmem>> -> memref<1x128xi32, #tpu.memory_space<vmem>>
      %dma_start3A_322 = tpu.memref_squeeze %dma_start3A_321 : memref<1x128xi32, #tpu.memory_space<vmem>> -> memref<128xi32, #tpu.memory_space<vmem>>
      %dma_start3A_323 = arith.constant 0 : i32
      %dma_start3A_324 = arith.constant 0 : i32
      %dma_start3A_325 = tpu.memref_slice %arg3[%select_n3A, %dma_start3A_323, %dma_start3A_324] : memref<26x100000x32xf32, #tpu.memory_space<hbm>> -> memref<1x100000x32xf32, #tpu.memory_space<hbm>>
      %dma_start3A_326 = tpu.memref_squeeze %dma_start3A_325 : memref<1x100000x32xf32, #tpu.memory_space<hbm>> -> memref<100000x32xf32, #tpu.memory_space<hbm>>
      %dma_start3A_327 = arith.constant 0 : i32
      %dma_start3A_328 = arith.constant 0 : i32
      %dma_start3A_329 = tpu.memref_slice %dma_start3A_326[%dma_start3A_327, %dma_start3A_328] : memref<100000x32xf32, #tpu.memory_space<hbm>> -> memref<100000x32xf32, #tpu.memory_space<hbm>>
      tpu.enqueue_indirect_dma source(%dma_start3A_329 : memref<100000x32xf32, #tpu.memory_space<hbm>>) target(%dma_start3A_319 : memref<128x32xf32, #tpu.memory_space<vmem>>) offsets(%dma_start3A_322 : memref<128xi32, #tpu.memory_space<vmem>>) semaphore(%arg7 : memref<!tpu.dma_semaphore, #tpu.memory_space<semaphore_mem>>)
      %dma_start3A_330 = arith.constant 7 : i32
      %dma_start3A_331 = arith.constant 896 : i32
      %dma_start3A_332 = arith.constant 0 : i32
      %dma_start3A_333 = tpu.memref_slice %arg6[%dma_start3A_331, %dma_start3A_332] : memref<1024x32xf32, #tpu.memory_space<vmem>> -> memref<128x32xf32, #tpu.memory_space<vmem>>
      %dma_start3A_334 = arith.constant 0 : i32
      %dma_start3A_335 = tpu.memref_slice %arg5[%dma_start3A_330, %dma_start3A_334] : memref<8x128xi32, #tpu.memory_space<vmem>> -> memref<1x128xi32, #tpu.memory_space<vmem>>
      %dma_start3A_336 = tpu.memref_squeeze %dma_start3A_335 : memref<1x128xi32, #tpu.memory_space<vmem>> -> memref<128xi32, #tpu.memory_space<vmem>>
      %dma_start3A_337 = arith.constant 0 : i32
      %dma_start3A_338 = arith.constant 0 : i32
      %dma_start3A_339 = tpu.memref_slice %arg3[%select_n3A, %dma_start3A_337, %dma_start3A_338] : memref<26x100000x32xf32, #tpu.memory_space<hbm>> -> memref<1x100000x32xf32, #tpu.memory_space<hbm>>
      %dma_start3A_340 = tpu.memref_squeeze %dma_start3A_339 : memref<1x100000x32xf32, #tpu.memory_space<hbm>> -> memref<100000x32xf32, #tpu.memory_space<hbm>>
      %dma_start3A_341 = arith.constant 0 : i32
      %dma_start3A_342 = arith.constant 0 : i32
      %dma_start3A_343 = tpu.memref_slice %dma_start3A_340[%dma_start3A_341, %dma_start3A_342] : memref<100000x32xf32, #tpu.memory_space<hbm>> -> memref<100000x32xf32, #tpu.memory_space<hbm>>
      tpu.enqueue_indirect_dma source(%dma_start3A_343 : memref<100000x32xf32, #tpu.memory_space<hbm>>) target(%dma_start3A_333 : memref<128x32xf32, #tpu.memory_space<vmem>>) offsets(%dma_start3A_336 : memref<128xi32, #tpu.memory_space<vmem>>) semaphore(%arg7 : memref<!tpu.dma_semaphore, #tpu.memory_space<semaphore_mem>>)
      %dma_wait3A_344 = arith.constant 0 : i32
      %dma_wait3A_345 = arith.constant 0 : i32
      %dma_wait3A_346 = arith.constant 0 : i32
      %dma_wait3A_347 = tpu.memref_slice %arg6[%dma_wait3A_345, %dma_wait3A_346] : memref<1024x32xf32, #tpu.memory_space<vmem>> -> memref<128x32xf32, #tpu.memory_space<vmem>>
      %dma_wait3A_348 = arith.constant 0 : i32
      %dma_wait3A_349 = tpu.memref_slice %arg5[%dma_wait3A_344, %dma_wait3A_348] : memref<8x128xi32, #tpu.memory_space<vmem>> -> memref<1x128xi32, #tpu.memory_space<vmem>>
      %dma_wait3A_350 = tpu.memref_squeeze %dma_wait3A_349 : memref<1x128xi32, #tpu.memory_space<vmem>> -> memref<128xi32, #tpu.memory_space<vmem>>
      %dma_wait3A_351 = arith.constant 0 : i32
      %dma_wait3A_352 = arith.constant 0 : i32
      %dma_wait3A_353 = tpu.memref_slice %arg3[%select_n3A, %dma_wait3A_351, %dma_wait3A_352] : memref<26x100000x32xf32, #tpu.memory_space<hbm>> -> memref<1x100000x32xf32, #tpu.memory_space<hbm>>
      %dma_wait3A_354 = tpu.memref_squeeze %dma_wait3A_353 : memref<1x100000x32xf32, #tpu.memory_space<hbm>> -> memref<100000x32xf32, #tpu.memory_space<hbm>>
      %dma_wait3A_355 = arith.constant 0 : i32
      %dma_wait3A_356 = arith.constant 0 : i32
      %dma_wait3A_357 = tpu.memref_slice %dma_wait3A_354[%dma_wait3A_355, %dma_wait3A_356] : memref<100000x32xf32, #tpu.memory_space<hbm>> -> memref<100000x32xf32, #tpu.memory_space<hbm>>
      tpu.wait_indirect_dma semaphore(%arg7 : memref<!tpu.dma_semaphore, #tpu.memory_space<semaphore_mem>>) src(%dma_wait3A_357 : memref<100000x32xf32, #tpu.memory_space<hbm>>) dst(%dma_wait3A_347 : memref<128x32xf32, #tpu.memory_space<vmem>>)
      %dma_wait3A_358 = arith.constant 1 : i32
      %dma_wait3A_359 = arith.constant 128 : i32
      %dma_wait3A_360 = arith.constant 0 : i32
      %dma_wait3A_361 = tpu.memref_slice %arg6[%dma_wait3A_359, %dma_wait3A_360] : memref<1024x32xf32, #tpu.memory_space<vmem>> -> memref<128x32xf32, #tpu.memory_space<vmem>>
      %dma_wait3A_362 = arith.constant 0 : i32
      %dma_wait3A_363 = tpu.memref_slice %arg5[%dma_wait3A_358, %dma_wait3A_362] : memref<8x128xi32, #tpu.memory_space<vmem>> -> memref<1x128xi32, #tpu.memory_space<vmem>>
      %dma_wait3A_364 = tpu.memref_squeeze %dma_wait3A_363 : memref<1x128xi32, #tpu.memory_space<vmem>> -> memref<128xi32, #tpu.memory_space<vmem>>
      %dma_wait3A_365 = arith.constant 0 : i32
      %dma_wait3A_366 = arith.constant 0 : i32
      %dma_wait3A_367 = tpu.memref_slice %arg3[%select_n3A, %dma_wait3A_365, %dma_wait3A_366] : memref<26x100000x32xf32, #tpu.memory_space<hbm>> -> memref<1x100000x32xf32, #tpu.memory_space<hbm>>
      %dma_wait3A_368 = tpu.memref_squeeze %dma_wait3A_367 : memref<1x100000x32xf32, #tpu.memory_space<hbm>> -> memref<100000x32xf32, #tpu.memory_space<hbm>>
      %dma_wait3A_369 = arith.constant 0 : i32
      %dma_wait3A_370 = arith.constant 0 : i32
      %dma_wait3A_371 = tpu.memref_slice %dma_wait3A_368[%dma_wait3A_369, %dma_wait3A_370] : memref<100000x32xf32, #tpu.memory_space<hbm>> -> memref<100000x32xf32, #tpu.memory_space<hbm>>
      tpu.wait_indirect_dma semaphore(%arg7 : memref<!tpu.dma_semaphore, #tpu.memory_space<semaphore_mem>>) src(%dma_wait3A_371 : memref<100000x32xf32, #tpu.memory_space<hbm>>) dst(%dma_wait3A_361 : memref<128x32xf32, #tpu.memory_space<vmem>>)
      %dma_wait3A_372 = arith.constant 2 : i32
      %dma_wait3A_373 = arith.constant 256 : i32
      %dma_wait3A_374 = arith.constant 0 : i32
      %dma_wait3A_375 = tpu.memref_slice %arg6[%dma_wait3A_373, %dma_wait3A_374] : memref<1024x32xf32, #tpu.memory_space<vmem>> -> memref<128x32xf32, #tpu.memory_space<vmem>>
      %dma_wait3A_376 = arith.constant 0 : i32
      %dma_wait3A_377 = tpu.memref_slice %arg5[%dma_wait3A_372, %dma_wait3A_376] : memref<8x128xi32, #tpu.memory_space<vmem>> -> memref<1x128xi32, #tpu.memory_space<vmem>>
      %dma_wait3A_378 = tpu.memref_squeeze %dma_wait3A_377 : memref<1x128xi32, #tpu.memory_space<vmem>> -> memref<128xi32, #tpu.memory_space<vmem>>
      %dma_wait3A_379 = arith.constant 0 : i32
      %dma_wait3A_380 = arith.constant 0 : i32
      %dma_wait3A_381 = tpu.memref_slice %arg3[%select_n3A, %dma_wait3A_379, %dma_wait3A_380] : memref<26x100000x32xf32, #tpu.memory_space<hbm>> -> memref<1x100000x32xf32, #tpu.memory_space<hbm>>
      %dma_wait3A_382 = tpu.memref_squeeze %dma_wait3A_381 : memref<1x100000x32xf32, #tpu.memory_space<hbm>> -> memref<100000x32xf32, #tpu.memory_space<hbm>>
      %dma_wait3A_383 = arith.constant 0 : i32
      %dma_wait3A_384 = arith.constant 0 : i32
      %dma_wait3A_385 = tpu.memref_slice %dma_wait3A_382[%dma_wait3A_383, %dma_wait3A_384] : memref<100000x32xf32, #tpu.memory_space<hbm>> -> memref<100000x32xf32, #tpu.memory_space<hbm>>
      tpu.wait_indirect_dma semaphore(%arg7 : memref<!tpu.dma_semaphore, #tpu.memory_space<semaphore_mem>>) src(%dma_wait3A_385 : memref<100000x32xf32, #tpu.memory_space<hbm>>) dst(%dma_wait3A_375 : memref<128x32xf32, #tpu.memory_space<vmem>>)
      %dma_wait3A_386 = arith.constant 3 : i32
      %dma_wait3A_387 = arith.constant 384 : i32
      %dma_wait3A_388 = arith.constant 0 : i32
      %dma_wait3A_389 = tpu.memref_slice %arg6[%dma_wait3A_387, %dma_wait3A_388] : memref<1024x32xf32, #tpu.memory_space<vmem>> -> memref<128x32xf32, #tpu.memory_space<vmem>>
      %dma_wait3A_390 = arith.constant 0 : i32
      %dma_wait3A_391 = tpu.memref_slice %arg5[%dma_wait3A_386, %dma_wait3A_390] : memref<8x128xi32, #tpu.memory_space<vmem>> -> memref<1x128xi32, #tpu.memory_space<vmem>>
      %dma_wait3A_392 = tpu.memref_squeeze %dma_wait3A_391 : memref<1x128xi32, #tpu.memory_space<vmem>> -> memref<128xi32, #tpu.memory_space<vmem>>
      %dma_wait3A_393 = arith.constant 0 : i32
      %dma_wait3A_394 = arith.constant 0 : i32
      %dma_wait3A_395 = tpu.memref_slice %arg3[%select_n3A, %dma_wait3A_393, %dma_wait3A_394] : memref<26x100000x32xf32, #tpu.memory_space<hbm>> -> memref<1x100000x32xf32, #tpu.memory_space<hbm>>
      %dma_wait3A_396 = tpu.memref_squeeze %dma_wait3A_395 : memref<1x100000x32xf32, #tpu.memory_space<hbm>> -> memref<100000x32xf32, #tpu.memory_space<hbm>>
      %dma_wait3A_397 = arith.constant 0 : i32
      %dma_wait3A_398 = arith.constant 0 : i32
      %dma_wait3A_399 = tpu.memref_slice %dma_wait3A_396[%dma_wait3A_397, %dma_wait3A_398] : memref<100000x32xf32, #tpu.memory_space<hbm>> -> memref<100000x32xf32, #tpu.memory_space<hbm>>
      tpu.wait_indirect_dma semaphore(%arg7 : memref<!tpu.dma_semaphore, #tpu.memory_space<semaphore_mem>>) src(%dma_wait3A_399 : memref<100000x32xf32, #tpu.memory_space<hbm>>) dst(%dma_wait3A_389 : memref<128x32xf32, #tpu.memory_space<vmem>>)
      %dma_wait3A_400 = arith.constant 4 : i32
      %dma_wait3A_401 = arith.constant 512 : i32
      %dma_wait3A_402 = arith.constant 0 : i32
      %dma_wait3A_403 = tpu.memref_slice %arg6[%dma_wait3A_401, %dma_wait3A_402] : memref<1024x32xf32, #tpu.memory_space<vmem>> -> memref<128x32xf32, #tpu.memory_space<vmem>>
      %dma_wait3A_404 = arith.constant 0 : i32
      %dma_wait3A_405 = tpu.memref_slice %arg5[%dma_wait3A_400, %dma_wait3A_404] : memref<8x128xi32, #tpu.memory_space<vmem>> -> memref<1x128xi32, #tpu.memory_space<vmem>>
      %dma_wait3A_406 = tpu.memref_squeeze %dma_wait3A_405 : memref<1x128xi32, #tpu.memory_space<vmem>> -> memref<128xi32, #tpu.memory_space<vmem>>
      %dma_wait3A_407 = arith.constant 0 : i32
      %dma_wait3A_408 = arith.constant 0 : i32
      %dma_wait3A_409 = tpu.memref_slice %arg3[%select_n3A, %dma_wait3A_407, %dma_wait3A_408] : memref<26x100000x32xf32, #tpu.memory_space<hbm>> -> memref<1x100000x32xf32, #tpu.memory_space<hbm>>
      %dma_wait3A_410 = tpu.memref_squeeze %dma_wait3A_409 : memref<1x100000x32xf32, #tpu.memory_space<hbm>> -> memref<100000x32xf32, #tpu.memory_space<hbm>>
      %dma_wait3A_411 = arith.constant 0 : i32
      %dma_wait3A_412 = arith.constant 0 : i32
      %dma_wait3A_413 = tpu.memref_slice %dma_wait3A_410[%dma_wait3A_411, %dma_wait3A_412] : memref<100000x32xf32, #tpu.memory_space<hbm>> -> memref<100000x32xf32, #tpu.memory_space<hbm>>
      tpu.wait_indirect_dma semaphore(%arg7 : memref<!tpu.dma_semaphore, #tpu.memory_space<semaphore_mem>>) src(%dma_wait3A_413 : memref<100000x32xf32, #tpu.memory_space<hbm>>) dst(%dma_wait3A_403 : memref<128x32xf32, #tpu.memory_space<vmem>>)
      %dma_wait3A_414 = arith.constant 5 : i32
      %dma_wait3A_415 = arith.constant 640 : i32
      %dma_wait3A_416 = arith.constant 0 : i32
      %dma_wait3A_417 = tpu.memref_slice %arg6[%dma_wait3A_415, %dma_wait3A_416] : memref<1024x32xf32, #tpu.memory_space<vmem>> -> memref<128x32xf32, #tpu.memory_space<vmem>>
      %dma_wait3A_418 = arith.constant 0 : i32
      %dma_wait3A_419 = tpu.memref_slice %arg5[%dma_wait3A_414, %dma_wait3A_418] : memref<8x128xi32, #tpu.memory_space<vmem>> -> memref<1x128xi32, #tpu.memory_space<vmem>>
      %dma_wait3A_420 = tpu.memref_squeeze %dma_wait3A_419 : memref<1x128xi32, #tpu.memory_space<vmem>> -> memref<128xi32, #tpu.memory_space<vmem>>
      %dma_wait3A_421 = arith.constant 0 : i32
      %dma_wait3A_422 = arith.constant 0 : i32
      %dma_wait3A_423 = tpu.memref_slice %arg3[%select_n3A, %dma_wait3A_421, %dma_wait3A_422] : memref<26x100000x32xf32, #tpu.memory_space<hbm>> -> memref<1x100000x32xf32, #tpu.memory_space<hbm>>
      %dma_wait3A_424 = tpu.memref_squeeze %dma_wait3A_423 : memref<1x100000x32xf32, #tpu.memory_space<hbm>> -> memref<100000x32xf32, #tpu.memory_space<hbm>>
      %dma_wait3A_425 = arith.constant 0 : i32
      %dma_wait3A_426 = arith.constant 0 : i32
      %dma_wait3A_427 = tpu.memref_slice %dma_wait3A_424[%dma_wait3A_425, %dma_wait3A_426] : memref<100000x32xf32, #tpu.memory_space<hbm>> -> memref<100000x32xf32, #tpu.memory_space<hbm>>
      tpu.wait_indirect_dma semaphore(%arg7 : memref<!tpu.dma_semaphore, #tpu.memory_space<semaphore_mem>>) src(%dma_wait3A_427 : memref<100000x32xf32, #tpu.memory_space<hbm>>) dst(%dma_wait3A_417 : memref<128x32xf32, #tpu.memory_space<vmem>>)
      %dma_wait3A_428 = arith.constant 6 : i32
      %dma_wait3A_429 = arith.constant 768 : i32
      %dma_wait3A_430 = arith.constant 0 : i32
      %dma_wait3A_431 = tpu.memref_slice %arg6[%dma_wait3A_429, %dma_wait3A_430] : memref<1024x32xf32, #tpu.memory_space<vmem>> -> memref<128x32xf32, #tpu.memory_space<vmem>>
      %dma_wait3A_432 = arith.constant 0 : i32
      %dma_wait3A_433 = tpu.memref_slice %arg5[%dma_wait3A_428, %dma_wait3A_432] : memref<8x128xi32, #tpu.memory_space<vmem>> -> memref<1x128xi32, #tpu.memory_space<vmem>>
      %dma_wait3A_434 = tpu.memref_squeeze %dma_wait3A_433 : memref<1x128xi32, #tpu.memory_space<vmem>> -> memref<128xi32, #tpu.memory_space<vmem>>
      %dma_wait3A_435 = arith.constant 0 : i32
      %dma_wait3A_436 = arith.constant 0 : i32
      %dma_wait3A_437 = tpu.memref_slice %arg3[%select_n3A, %dma_wait3A_435, %dma_wait3A_436] : memref<26x100000x32xf32, #tpu.memory_space<hbm>> -> memref<1x100000x32xf32, #tpu.memory_space<hbm>>
      %dma_wait3A_438 = tpu.memref_squeeze %dma_wait3A_437 : memref<1x100000x32xf32, #tpu.memory_space<hbm>> -> memref<100000x32xf32, #tpu.memory_space<hbm>>
      %dma_wait3A_439 = arith.constant 0 : i32
      %dma_wait3A_440 = arith.constant 0 : i32
      %dma_wait3A_441 = tpu.memref_slice %dma_wait3A_438[%dma_wait3A_439, %dma_wait3A_440] : memref<100000x32xf32, #tpu.memory_space<hbm>> -> memref<100000x32xf32, #tpu.memory_space<hbm>>
      tpu.wait_indirect_dma semaphore(%arg7 : memref<!tpu.dma_semaphore, #tpu.memory_space<semaphore_mem>>) src(%dma_wait3A_441 : memref<100000x32xf32, #tpu.memory_space<hbm>>) dst(%dma_wait3A_431 : memref<128x32xf32, #tpu.memory_space<vmem>>)
      %dma_wait3A_442 = arith.constant 7 : i32
      %dma_wait3A_443 = arith.constant 896 : i32
      %dma_wait3A_444 = arith.constant 0 : i32
      %dma_wait3A_445 = tpu.memref_slice %arg6[%dma_wait3A_443, %dma_wait3A_444] : memref<1024x32xf32, #tpu.memory_space<vmem>> -> memref<128x32xf32, #tpu.memory_space<vmem>>
      %dma_wait3A_446 = arith.constant 0 : i32
      %dma_wait3A_447 = tpu.memref_slice %arg5[%dma_wait3A_442, %dma_wait3A_446] : memref<8x128xi32, #tpu.memory_space<vmem>> -> memref<1x128xi32, #tpu.memory_space<vmem>>
      %dma_wait3A_448 = tpu.memref_squeeze %dma_wait3A_447 : memref<1x128xi32, #tpu.memory_space<vmem>> -> memref<128xi32, #tpu.memory_space<vmem>>
      %dma_wait3A_449 = arith.constant 0 : i32
      %dma_wait3A_450 = arith.constant 0 : i32
      %dma_wait3A_451 = tpu.memref_slice %arg3[%select_n3A, %dma_wait3A_449, %dma_wait3A_450] : memref<26x100000x32xf32, #tpu.memory_space<hbm>> -> memref<1x100000x32xf32, #tpu.memory_space<hbm>>
      %dma_wait3A_452 = tpu.memref_squeeze %dma_wait3A_451 : memref<1x100000x32xf32, #tpu.memory_space<hbm>> -> memref<100000x32xf32, #tpu.memory_space<hbm>>
      %dma_wait3A_453 = arith.constant 0 : i32
      %dma_wait3A_454 = arith.constant 0 : i32
      %dma_wait3A_455 = tpu.memref_slice %dma_wait3A_452[%dma_wait3A_453, %dma_wait3A_454] : memref<100000x32xf32, #tpu.memory_space<hbm>> -> memref<100000x32xf32, #tpu.memory_space<hbm>>
      tpu.wait_indirect_dma semaphore(%arg7 : memref<!tpu.dma_semaphore, #tpu.memory_space<semaphore_mem>>) src(%dma_wait3A_455 : memref<100000x32xf32, #tpu.memory_space<hbm>>) dst(%dma_wait3A_445 : memref<128x32xf32, #tpu.memory_space<vmem>>)
      "tpu.region"() ({
        %run_scoped3A = tpu.sem_alloc : memref<!tpu.dma_semaphore, #tpu.memory_space<semaphore_mem>>
        %dma_start3A_456 = arith.constant 0 : i32
        %dma_start3A_457 = tpu.memref_slice %arg4[%select_n3A, %mul3A_41, %dma_start3A_456] : memref<26x16384x32xf32, #tpu.memory_space<hbm>> -> memref<1x1024x32xf32, #tpu.memory_space<hbm>>
        %dma_start3A_458 = tpu.memref_squeeze %dma_start3A_457 : memref<1x1024x32xf32, #tpu.memory_space<hbm>> -> memref<1024x32xf32, #tpu.memory_space<hbm>>
        %dma_start3A_459 = arith.constant 0 : i32
        %dma_start3A_460 = tpu.memref_slice %arg4[%select_n3A, %mul3A_41, %dma_start3A_459] : memref<26x16384x32xf32, #tpu.memory_space<hbm>> -> memref<1x1024x32xf32, #tpu.memory_space<hbm>>
        %dma_start3A_461 = tpu.memref_squeeze %dma_start3A_460 : memref<1x1024x32xf32, #tpu.memory_space<hbm>> -> memref<1024x32xf32, #tpu.memory_space<hbm>>
        tpu.enqueue_dma source(%arg6 : memref<1024x32xf32, #tpu.memory_space<vmem>>) target(%dma_start3A_461 : memref<1024x32xf32, #tpu.memory_space<hbm>>) target_semaphore(%run_scoped3A : memref<!tpu.dma_semaphore, #tpu.memory_space<semaphore_mem>>)
        %dma_wait3A_462 = arith.constant 0 : i32
        %dma_wait3A_463 = tpu.memref_slice %arg4[%select_n3A, %mul3A_41, %dma_wait3A_462] : memref<26x16384x32xf32, #tpu.memory_space<hbm>> -> memref<1x1024x32xf32, #tpu.memory_space<hbm>>
        %dma_wait3A_464 = tpu.memref_squeeze %dma_wait3A_463 : memref<1x1024x32xf32, #tpu.memory_space<hbm>> -> memref<1024x32xf32, #tpu.memory_space<hbm>>
        %dma_wait3A_465 = arith.constant 0 : i32
        %dma_wait3A_466 = tpu.memref_slice %arg4[%select_n3A, %mul3A_41, %dma_wait3A_465] : memref<26x16384x32xf32, #tpu.memory_space<hbm>> -> memref<1x1024x32xf32, #tpu.memory_space<hbm>>
        %dma_wait3A_467 = tpu.memref_squeeze %dma_wait3A_466 : memref<1x1024x32xf32, #tpu.memory_space<hbm>> -> memref<1024x32xf32, #tpu.memory_space<hbm>>
        tpu.wait_dma2 semaphore(%run_scoped3A : memref<!tpu.dma_semaphore, #tpu.memory_space<semaphore_mem>>) src(%arg6 : memref<1024x32xf32, #tpu.memory_space<vmem>>) dst(%dma_wait3A_467 : memref<1024x32xf32, #tpu.memory_space<hbm>>)
        tpu.yield
      }) : () -> ()
    }
    %scan3A_5 = arith.constant 13 : i32
    return
  }
}

</mosaic_0001>

<sc_bundles>
// kernel: kernel.3.cloned.1.call-start
scs
__scs_entry_jumppad:
0x0: {  	(pc) =	sbr.rel $0x88, $3  }
0x1: {  	(tag) =	ssettag $0x0;
	lr =	simm.s32 $0x1  }
0x2: {  	[smem:$0x3F9F] =	sst lr;
	_ =	strace $0xD0000000  }
0x3: {  	_ = 	snop  }
0x4: {  	_ = 	snop  }
0x5: {  	_ = 	snop  }
0x6: {  	_ = 	snop  }
0x7: {  	_ = 	snop  }
__scs_overlays_trampoline_lowered:
0x8: {  	[smem:$0x3FAE] =	sst s0  }
0x9: {  	[smem:$0x3FAF] =	sst s1  }
0xa: {  	[smem:$0x3FB0] =	sst s2  }
0xb: {  	[smem:$0x3FB1] =	sst s3  }
0xc: {  	[smem:$0x3FB2] =	sst s4  }
0xd: {  	[smem:$0x3FB3] =	sst s5  }
0xe: {  	[smem:$0x3FB4] =	sst s6  }
0xf: {  	[smem:$0x3FB5] =	sst s7  }
0x10: {  	[smem:$0x3FB6] =	sst s8  }
0x11: {  	[smem:$0x3FB7] =	sst s9;
	s0 =	simm.s32 @!p0 $0x0  }
0x12: {  	s1 =	sld [smem:$0x3F9D];
	s0 =	simm.s32 @p0 $0x1  }
0x13: {  	[smem:$0x3FB8] =	sst s0;
	s0 =	simm.s32 @!p1 $0x0  }
0x14: {  	s2 =	sld [smem:$0x3F9C];
	s0 =	simm.s32 @p1 $0x1  }
0x15: {  	[smem:$0x3FB9] =	sst s0;
	s0 =	simm.s32 @!p2 $0x0  }
0x16: {  	s3 =	sld [smem:$0x3FDB];
	s0 =	simm.s32 @p2 $0x1  }
0x17: {  	s4 =	simm.s32 $0x1BF5;
	[smem:$0x3FBB] =	sst s0  }
0x18: {  	s0 =	sld [smem:$0x3F9E];
	_ =	swait.ge [sflag:s4], $0x0  }
0x19: {  	s7 =	sld [smem:$0x3F9F]  }
0x1a: {  	s8 =	sadd.s32 $0xFFFFE003, lr  }
0x1b: {  	s9 =	sadd.s32 $0xFFFFFEF7, lr;
	s5 =	simm.s32 $0xFFFFFFFF;
	p2 =	slt.u32 s8, $0xFFFFF086  }
0x1c: {  	p1 =	slt.u32 s9, $0xF7A;
	s5 =	simm.s32 @!p2 $0x0  }
0x1d: {  	s5 =	simm.s32 @p1 $0x1;
	p0 =	seq.s32 s7, s2  }
0x1e: {  	s7 =	smul.u32 @!p0 $0xF7A, s2;
	p2 =	seq.s32 @!p0 s5, $0x0  }
0x1f: {  	s9 =	smul.u32 $0xF7A, s1;
	s8 =	simm.s32 @!p0 $0x1BF5;
	p2 =	por !p2, p0  }
0x20: {  	[sflag:s8] =	ssyncset.s32 @!p0 $0xFFFFF086;
	s6 =	sadd.s32 @!p0 s3, s7;
	s7 =	simm.s32 @!p0 $0x108  }
0x21: {  	s3 =	sadd.s32 s3, s9;
	s6 =	sadd.s32 @!p0 $0x88, s6;
	s7 =	simm.s32 @p2 $0x1082  }
0x22: {  	[simem:s7], [sflag:s8] =	dma.local @!p0 [hbm:s6], $0xF7A  }
0x23: {  	s9 =	sor.u32 $0xD0000000, s2;
	s6 =	simm.s32 $0x108;
	_ =	swait.ge @!p0 [sflag:s8], $0x0  }
0x24: {  	s3 =	sadd.s32 $0x88, s3;
	s6 =	simm.s32 @!p1 $0x1082;
	[sflag:s4] =	ssyncset.s32 $0xFFFFF086  }
0x25: {  	[simem:s6], [sflag:s4] =	dma.local [hbm:s3], $0xF7A  }
0x26: {  	[smem:$0x3F9F] =	sst s1;
	(tag) =	ssettag s2;
	_ =	strace s9  }
0x27: {  	s1 =	sld [smem:$0x3FAF]  }
0x28: {  	s2 =	sld [smem:$0x3FB0]  }
0x29: {  	s4 =	sld [smem:$0x3FB2]  }
0x2a: {  	p0 =	seq.s32 s5, $0x0;
	s5 =	sld [smem:$0x3FB3]  }
0x2b: {  	s6 =	sld [smem:$0x3FB4]  }
0x2c: {  	s7 =	sld [smem:$0x3FB5]  }
0x2d: {  	s3 =	simm.s32 $0x108;
	s8 =	sld [smem:$0x3FB6]  }
0x2e: {  	s3 =	simm.s32 @!p0 $0x1082;
	s9 =	sld [smem:$0x3FB7]  }
0x2f: {  	lr =	sadd.s32 s0, s3;
	s0 =	sld [smem:$0x3FAE]  }
0x30: {  	s3 =	sld [smem:$0x3FB1]  }
0x31: {  	[smem:$0x3FBA] =	sst s10  }
0x32: {  	s10 =	sld [smem:$0x3FB8];
	_ =	sdelay $0x3  }
0x33: {  	p0 =	seq.s32 s10, $0x1;
	s10 =	sld [smem:$0x3FBA];
	_ =	sdelay $0x3  }
0x34: {  	[smem:$0x3FBA] =	sst s10  }
0x35: {  	s10 =	sld [smem:$0x3FB9];
	_ =	sdelay $0x3  }
0x36: {  	p1 =	seq.s32 s10, $0x1;
	s10 =	sld [smem:$0x3FBA];
	_ =	sdelay $0x3  }
0x37: {  	[smem:$0x3FBA] =	sst s10  }
0x38: {  	s10 =	sld [smem:$0x3FBB]  }
0x39: {  	_ = 	snop;
	(pc) =	sbr.ind lr, $3  }
0x3a: {  	_ = 	snop  }
0x3b: {  	_ = 	snop  }
0x3c: {  	p2 =	seq.s32 s10, $0x1;
	s10 =	sld [smem:$0x3FBA]  }
0x3d: {  	_ =	shalt  }
0x3e: {  	_ =	shalt  }
0x3f: {  	_ =	shalt  }
0x40: {  	_ =	shalt  }
0x41: {  	_ =	shalt  }
0x42: {  	_ =	shalt  }
0x43: {  	_ =	shalt  }
0x44: {  	_ =	shalt  }
0x45: {  	_ =	shalt  }
0x46: {  	_ =	shalt  }
0x47: {  	_ =	shalt  }
0x48: {  	_ =	shalt  }
0x49: {  	_ =	shalt  }
0x4a: {  	_ =	shalt  }
0x4b: {  	_ =	shalt  }
0x4c: {  	_ =	shalt  }
0x4d: {  	_ =	shalt  }
0x4e: {  	_ =	shalt  }
0x4f: {  	_ =	shalt  }
0x50: {  	_ =	shalt  }
0x51: {  	_ =	shalt  }
0x52: {  	_ =	shalt  }
0x53: {  	_ =	shalt  }
0x54: {  	_ =	shalt  }
0x55: {  	_ =	shalt  }
0x56: {  	_ =	shalt  }
0x57: {  	_ =	shalt  }
0x58: {  	_ =	shalt  }
0x59: {  	_ =	shalt  }
0x5a: {  	_ =	shalt  }
0x5b: {  	_ =	shalt  }
0x5c: {  	_ =	shalt  }
0x5d: {  	_ =	shalt  }
0x5e: {  	_ =	shalt  }
0x5f: {  	_ =	shalt  }
0x60: {  	_ =	shalt  }
0x61: {  	_ =	shalt  }
0x62: {  	_ =	shalt  }
0x63: {  	_ =	shalt  }
0x64: {  	_ =	shalt  }
0x65: {  	_ =	shalt  }
0x66: {  	_ =	shalt  }
0x67: {  	_ =	shalt  }
0x68: {  	_ =	shalt  }
0x69: {  	_ =	shalt  }
0x6a: {  	_ =	shalt  }
0x6b: {  	_ =	shalt  }
0x6c: {  	_ =	shalt  }
0x6d: {  	_ =	shalt  }
0x6e: {  	_ =	shalt  }
0x6f: {  	_ =	shalt  }
0x70: {  	_ =	shalt  }
0x71: {  	_ =	shalt  }
0x72: {  	_ =	shalt  }
0x73: {  	_ =	shalt  }
0x74: {  	_ =	shalt  }
0x75: {  	_ =	shalt  }
0x76: {  	_ =	shalt  }
0x77: {  	_ =	shalt  }
0x78: {  	_ =	shalt  }
0x79: {  	_ =	shalt  }
0x7a: {  	_ =	shalt  }
0x7b: {  	_ =	shalt  }
0x7c: {  	_ =	shalt  }
0x7d: {  	_ =	shalt  }
0x7e: {  	_ =	shalt  }
0x7f: {  	_ =	shalt  }
0x80: {  	_ =	shalt  }
0x81: {  	_ =	shalt  }
0x82: {  	_ =	shalt  }
0x83: {  	_ =	shalt  }
0x84: {  	_ =	shalt  }
0x85: {  	_ =	shalt  }
0x86: {  	_ =	shalt  }
0x87: {  	_ =	shalt  }
.Lfunc_end0:
.L_simem_size_0:
called_computation.1_lowered:
.L_overlay_start_0:
0x88: {  	s2 =	sld [smem:$0x3FD9]  }
0x89: {  	s3 =	sld [smem:$0x3FFE];
	_ =	sdelay $0x1  }
0x8a: {  	s1 =	srdreg.scid  }
0x8b: {  	s0 =	sand.u32 $0x1, s1  }
0x8c: {  	s17 =	sshll.u32 s0, $0xA;
	s2 =	sadd.s32 s3, s2  }
0x8d: {  	s2 =	sadd.s32 s2, s17  }
0x8e: {  	[smem:$0x3FC6] =	sst s2  }
0x8f: {  	_ = 	snop  }
0x90: {  	s2 =	sld [smem:$0x3FD0];
	(tm) =	ssettm $0x1  }
0x91: {  	s18 =	sld [smem:$0x3FFB];
	_ =	sdelay $0x3  }
0x92: {  	_ =	strace s18  }
0x93: {  	s3 =	sld [smem:$0x3FFC];
	_ =	sdelay $0x3  }
0x94: {  	_ =	strace s3  }
0x95: {  	s3 =	sld [smem:$0x3FFD];
	_ =	sdelay $0x3  }
0x96: {  	_ =	strace s3  }
0x97: {  	_ =	strace $0x8FFFFFFF  }
0x98: {  	s19 =	sld [smem:$0x3FDB];
	_ =	sdelay $0x1  }
0x99: {  	s4 =	simm.s32 $_scs_section_size  }
0x9a: {  	s5 =	simm.s32 $_size__tile_overlayer_lowered;
	s6 =	simm.s32 $_tile_overlayer_lowered  }
0x9b: {  	s22 =	simm.s32 $0x1BFF;
	s21 =	sshll.u32 s6, $0x1;
	s3 =	sadd.s32 s4, s19  }
0x9c: {  	s7 =	simm.s32 $0x0;
	s20 =	sshll.u32 s5, $0x1;
	s5 =	sadd.s32 s21, s3  }
0x9d: {  	[timem:s7], [sflag:s22] =	dma.local [hbm:s5], s20  }
0x9e: {  	_ =	swait.ge [sflag:s22], s20  }
0x9f: {  	s4 =	ssub.s32 $0x0, s20;
	[sflag:s22] =	ssyncset.done $0x0  }
0xa0: {  	[sflag:s22] =	ssyncadd.s32 s4;
	_ =	sdelay $0x1  }
0xa1: {  	s23 =	simm.s32 $0x1B8B  }
0xa2: {  	_ =	swait.ge [sflag:s23], $0x1  }
0xa3: {  	[sflag:s23] =	ssyncset.done $0x0  }
0xa4: {  	s25 =	simm.s32 $0x1B8E;
	s24 =	sld [smem:$0x3FFE];
	[sflag:s23] =	ssyncadd.s32 $0xFFFFFFFF  }
0xa5: {  	s26 =	simm.s32 $execute0_lowered;
	[smem:$0x3FD2] =	sst s25  }
0xa6: {  	s5 =	sshll.u32 s26, $0x1;
	_ =	strace $0x80000046;
	[dreg:$0x1] =	wrdreg $0xFFFFFFFF  }
0xa7: {  	s28 =	simm.s32 $_size_execute0_lowered;
	s3 =	sadd.s32 s3, s5;
	[dreg:$0x0] =	wrdreg $0x0  }
0xa8: {  	s5 =	sshll.u32 s28, $0x1;
	[dreg:$0x2] =	wrdreg s3  }
0xa9: {  	[dreg:$0x3] =	wrdreg s5  }
0xaa: {  	[dreg:$0x4] =	wrdreg $0xC0  }
0xab: {  	_ =	task [dreg:s7], $0x5FFFF  }
0xac: {  	[dreg:$0x1] =	wrdreg $0xFFFFFFFF  }
0xad: {  	[dreg:$0x0] =	wrdreg $0x60  }
0xae: {  	[dreg:$0x2] =	wrdreg s24  }
0xaf: {  	[dreg:$0x3] =	wrdreg s2  }
0xb0: {  	[dreg:$0x4] =	wrdreg $0x9  }
0xb1: {  	_ =	task.clear_ibuf [dreg:s7], $0x5FFFF;
	_ =	strace $0x90000046  }
0xb2: {  	s29 =	simm.s32 $0x9;
	_ =	strace $0x80000048  }
0xb3: {  	_ =	swait.ge [sflag:s29], $0x1  }
0xb4: {  	[sflag:s29] =	ssyncadd.s32 $0xFFFFFFFF  }
0xb5: {  	_ =	strace $0x90000048  }
0xb6: {  	_ =	sfence  }
0xb7: {  	s30 =	sld [smem:$0x0];
	_ =	sdelay $0x2  }
0xb8: {  	s31 =	sshll.u32 s1, $0xD;
	s1 =	sshrl.u32 s1, $0x2  }
0xb9: {  	s3 =	sand.u32 $0x4000, s31;
	s1 =	sadd.s32 s1, s30  }
0xba: {  	s0 =	sor.u32 s3, s0;
	s1 =	sshll.u32 s1, $0x11  }
0xbb: {  	s0 =	sor.u32 s1, s0  }
0xbc: {  	s0 =	sadd.s32 $0x8F2B, s0  }
0xbd: {  	[sflag:s0] =	ssyncadd.remote.s32 $0x1  }
0xbe: {  	_ =	sfence.sel $0xFFFF  }
0xbf: {  	[dreg:$0x0] =	wrdreg $0xFFFFFFFF;
	(pc) =	sbr.abs _section_cstart, $3  }
0xc0: {  	[dreg:$0x1] =	wrdreg $0xFFFFFFFF  }
0xc1: {  	_ =	task.clear_ibuf [dreg:s7], $0x2FFFF;
	_ =	strace $0x9FFFFFFF  }
0xc2: {  	(tm) =	ssettm $0x7FFFFFFF  }
0xc3: {  	_ =	shalt  }
tec
execute0_lowered:
.L_overlay_start_1:
0x0: {  	(tag) =	ssettag $0x1  }
0x1: {  	s3 =	rddreg [dreg:$0x0]  }
0x2: {  	s0 =	rddreg [dreg:$0x1]  }
0x3: {  	s2 =	simm.s32 $0x0;
	s4 =	srdreg.scid;
	s1 =	stileid.u32  }
0x4: {  	s30 =	simm.s32 $0x1400;
	s10 =	simm.s32 $0x2400;
	[dreg:$0x5] =	wrdreg s0  }
0x5: {  	s11 =	simm.s32 $0x3400;
	s12 =	simm.s32 $0x4400;
	s0 =	rddreg [dreg:$0x2]  }
0x6: {  	s13 =	simm.s32 $0x5400;
	[smem:$0x7FF] =	sst s2;
	s6 =	sadd.s32 $0xA00, s3  }
0x7: {  	s3 =	sadd.s32 $0x27ACE00, s3;
	_ =	strace $0x80000047;
	[dreg:$0x3] =	wrdreg s6  }
0x8: {  	s14 =	simm.s32 $0x6400;
	s31 =	simm.s32 $0x7400;
	[dreg:$0x4] =	wrdreg s3  }
0x9: {  	s15 =	simm.s32 $0x0;
	s5 =	smul.u32 $0x6800, s1;
	[dreg:$0x7] =	wrdreg s30  }
0xa: {  	s4 =	sand.u32 $0x1, s4;
	s8 =	smul.u32 $0x1A, s1;
	[dreg:$0x8] =	wrdreg s10  }
0xb: {  	s7 =	ssub.s32 $0x2, s4;
	s9 =	smul.u32 $0xD, s4;
	[dreg:$0x9] =	wrdreg s11  }
0xc: {  	s4 =	smul.u32 $0x3400, s4;
	s10 =	simm.s32 $0x300;
	[dreg:$0xa] =	wrdreg s12  }
0xd: {  	s11 =	simm.s32 $0x380;
	s12 =	simm.s32 $0x1;
	[dreg:$0xb] =	wrdreg s13  }
0xe: {  	s13 =	simm.s32 $0x400;
	[dreg:$0xc] =	wrdreg s14;
	s28 =	sshrl.u32 s7, $0x1  }
0xf: {  	[dreg:$0xd] =	wrdreg s31;
	s14 =	simm.s32 $0x2;
	s6 =	ssub.s32 s7, s28  }
0x10: {  	s29 =	sadd.s32 s9, s8;
	s4 =	sadd.s32 s4, s5;
	s5 =	simm.s32 $0x80  }
0x11: {  	s7 =	simm.s32 $0x180;
	s8 =	simm.s32 $0x200;
	s9 =	simm.s32 $0x280  }
0x12: {  	s3 =	smax.u32 s6, $0x1;
	[dreg:$0x6] =	wrdreg s29;
	s6 =	simm.s32 $0x100  }
.LBB2_1:
0x13: {  	s16 =	rddreg [dreg:$0x6]  }
0x14: {  	s16 =	sadd.s32 $0x0, s16  }
0x15: {  	s16 =	sshrl.u32 s16, $0x4  }
0x16: {  	s17 =	sand.u32 $0x3C00, s4;
	s18 =	sshll.u32 s16, $0xE  }
0x17: {  	s18 =	sor.u32 s17, s18  }
0x18: {  	s19 =	rddreg [dreg:$0x3];
	s18 =	sshrl.u32 s18, $0x3  }
0x19: {  	s18 =	sadd.s32 s19, s18  }
0x1a: {  	[tilespmem:s2], [sflag:$0x1] =	stream.linear.gather [hbm4b:s18+s2], $0x80, $0x38;
	[tilespmem:$0x8400] =	vst v63  }
0x1b: {  	s19 =	sadd.s32 $0x10, s18  }
0x1c: {  	[tilespmem:s5], [sflag:$0x1] =	stream.linear.gather [hbm4b:s19+s2], $0x80, $0x38;
	[tilespmem:$0x8400] =	vst v63  }
0x1d: {  	s29 =	sadd.s32 $0x20, s18  }
0x1e: {  	[tilespmem:s6], [sflag:$0x1] =	stream.linear.gather [hbm4b:s29+s2], $0x80, $0x38;
	[tilespmem:$0x8400] =	vst v63  }
0x1f: {  	s30 =	sadd.s32 $0x30, s18  }
0x20: {  	[tilespmem:s7], [sflag:$0x1] =	stream.linear.gather [hbm4b:s30+s2], $0x80, $0x38;
	[tilespmem:$0x8400] =	vst v63  }
0x21: {  	s31 =	sadd.s32 $0x40, s18  }
0x22: {  	[tilespmem:s8], [sflag:$0x1] =	stream.linear.gather [hbm4b:s31+s2], $0x80, $0x38;
	[tilespmem:$0x8400] =	vst v63  }
0x23: {  	s20 =	sadd.s32 $0x50, s18  }
0x24: {  	[tilespmem:s9], [sflag:$0x1] =	stream.linear.gather [hbm4b:s20+s2], $0x80, $0x38;
	[tilespmem:$0x8400] =	vst v63  }
0x25: {  	s21 =	sadd.s32 $0x60, s18  }
0x26: {  	[tilespmem:s10], [sflag:$0x1] =	stream.linear.gather [hbm4b:s21+s2], $0x80, $0x38;
	[tilespmem:$0x8400] =	vst v63  }
0x27: {  	s18 =	sadd.s32 $0x70, s18  }
0x28: {  	[tilespmem:s11], [sflag:$0x1] =	stream.linear.gather [hbm4b:s18+s2], $0x80, $0x38;
	[tilespmem:$0x8400] =	vst v63  }
0x29: {  	_ =	swait.ge [sflag:s12], $0x80  }
0x2a: {  	[sflag:s12] =	ssyncset.done $0x0  }
0x2b: {  	[sflag:s12] =	ssyncadd.s32 $0xFFFFFF80  }
0x2c: {  	_ =	swait.ge [sflag:s12], $0x80  }
0x2d: {  	[sflag:s12] =	ssyncset.done $0x0  }
0x2e: {  	[sflag:s12] =	ssyncadd.s32 $0xFFFFFF80  }
0x2f: {  	_ =	swait.ge [sflag:s12], $0x80  }
0x30: {  	[sflag:s12] =	ssyncset.done $0x0  }
0x31: {  	[sflag:s12] =	ssyncadd.s32 $0xFFFFFF80  }
0x32: {  	_ =	swait.ge [sflag:s12], $0x80  }
0x33: {  	[sflag:s12] =	ssyncset.done $0x0  }
0x34: {  	[sflag:s12] =	ssyncadd.s32 $0xFFFFFF80  }
0x35: {  	_ =	swait.ge [sflag:s12], $0x80  }
0x36: {  	[sflag:s12] =	ssyncset.done $0x0  }
0x37: {  	[sflag:s12] =	ssyncadd.s32 $0xFFFFFF80  }
0x38: {  	_ =	swait.ge [sflag:s12], $0x80  }
0x39: {  	[sflag:s12] =	ssyncset.done $0x0  }
0x3a: {  	[sflag:s12] =	ssyncadd.s32 $0xFFFFFF80  }
0x3b: {  	_ =	swait.ge [sflag:s12], $0x80  }
0x3c: {  	[sflag:s12] =	ssyncset.done $0x0  }
0x3d: {  	[sflag:s12] =	ssyncadd.s32 $0xFFFFFF80  }
0x3e: {  	s23 =	smul.u32 $0x61A80, s16;
	_ =	swait.ge [sflag:s12], $0x80  }
0x3f: {  	s22 =	rddreg [dreg:$0x4];
	[sflag:s12] =	ssyncset.done $0x0  }
0x40: {  	[sflag:s12] =	ssyncadd.s32 $0xFFFFFF80;
	s18 =	sadd.s32 s22, s23  }
0x41: {  	[tilespmem:s13], [sflag:$0x1] =	stream.indirect.gather [hbm4b:s18+s5], $0x20, s2, s5, $0xb8;
	[tilespmem:$0x8400] =	vst v63  }
0x42: {  	s24 =	rddreg [dreg:$0x7]  }
0x43: {  	[tilespmem:s24], [sflag:$0x1] =	stream.indirect.gather [hbm4b:s18+s5], $0x20, s5, s5, $0xb8;
	[tilespmem:$0x8400] =	vst v63  }
0x44: {  	s20 =	rddreg [dreg:$0x8]  }
0x45: {  	[tilespmem:s20], [sflag:$0x1] =	stream.indirect.gather [hbm4b:s18+s5], $0x20, s6, s5, $0xb8;
	[tilespmem:$0x8400] =	vst v63  }
0x46: {  	s25 =	rddreg [dreg:$0x9]  }
0x47: {  	[tilespmem:s25], [sflag:$0x1] =	stream.indirect.gather [hbm4b:s18+s5], $0x20, s7, s5, $0xb8;
	[tilespmem:$0x8400] =	vst v63  }
0x48: {  	s26 =	rddreg [dreg:$0xa]  }
0x49: {  	[tilespmem:s26], [sflag:$0x1] =	stream.indirect.gather [hbm4b:s18+s5], $0x20, s8, s5, $0xb8;
	[tilespmem:$0x8400] =	vst v63  }
0x4a: {  	s28 =	rddreg [dreg:$0xb]  }
0x4b: {  	[tilespmem:s28], [sflag:$0x1] =	stream.indirect.gather [hbm4b:s18+s5], $0x20, s9, s5, $0xb8;
	[tilespmem:$0x8400] =	vst v63  }
0x4c: {  	s29 =	rddreg [dreg:$0xc]  }
0x4d: {  	[tilespmem:s29], [sflag:$0x1] =	stream.indirect.gather [hbm4b:s18+s5], $0x20, s10, s5, $0xb8;
	[tilespmem:$0x8400] =	vst v63  }
0x4e: {  	s30 =	rddreg [dreg:$0xd]  }
0x4f: {  	[tilespmem:s30], [sflag:$0x1] =	stream.indirect.gather [hbm4b:s18+s5], $0x20, s11, s5, $0xb8;
	[tilespmem:$0x8400] =	vst v63  }
0x50: {  	_ =	swait.ge [sflag:s12], $0x1000  }
0x51: {  	[sflag:s12] =	ssyncset.done $0x0  }
0x52: {  	[sflag:s12] =	ssyncadd.s32 $0xFFFFF000  }
0x53: {  	_ =	swait.ge [sflag:s12], $0x1000  }
0x54: {  	[sflag:s12] =	ssyncset.done $0x0  }
0x55: {  	[sflag:s12] =	ssyncadd.s32 $0xFFFFF000  }
0x56: {  	_ =	swait.ge [sflag:s12], $0x1000  }
0x57: {  	[sflag:s12] =	ssyncset.done $0x0  }
0x58: {  	[sflag:s12] =	ssyncadd.s32 $0xFFFFF000  }
0x59: {  	_ =	swait.ge [sflag:s12], $0x1000  }
0x5a: {  	[sflag:s12] =	ssyncset.done $0x0  }
0x5b: {  	[sflag:s12] =	ssyncadd.s32 $0xFFFFF000  }
0x5c: {  	_ =	swait.ge [sflag:s12], $0x1000  }
0x5d: {  	[sflag:s12] =	ssyncset.done $0x0  }
0x5e: {  	[sflag:s12] =	ssyncadd.s32 $0xFFFFF000  }
0x5f: {  	_ =	swait.ge [sflag:s12], $0x1000  }
0x60: {  	[sflag:s12] =	ssyncset.done $0x0  }
0x61: {  	[sflag:s12] =	ssyncadd.s32 $0xFFFFF000  }
0x62: {  	_ =	swait.ge [sflag:s12], $0x1000  }
0x63: {  	[sflag:s12] =	ssyncset.done $0x0  }
0x64: {  	[sflag:s12] =	ssyncadd.s32 $0xFFFFF000  }
0x65: {  	_ =	swait.ge [sflag:s12], $0x1000  }
0x66: {  	s16 =	sshll.u32 s16, $0x10;
	s31 =	rddreg [dreg:$0x5]  }
0x67: {  	s17 =	sshll.u32 s17, $0x2;
	[sflag:s12] =	ssyncset.done $0x0;
	s16 =	sadd.s32 s31, s16  }
0x68: {  	[sflag:s12] =	ssyncadd.s32 $0xFFFFF000;
	s16 =	sadd.s32 s17, s16  }
0x69: {  	[hbm4b:s16+s2] =	stream.linear.scatter [tilespmem:s13], [sflag:$0x2], $0x8000, $0x38;
	[tilespmem:$0x8400] =	vst v63  }
0x6a: {  	s18 =	smov.u32 s4;
	s17 =	simm.s32 $0x2;
	_ =	swait.ge [sflag:s14], $0x8000  }
0x6b: {  	s16 =	simm.s32 $0x1;
	s19 =	rddreg [dreg:$0x6];
	[sflag:s14] =	ssyncset.done $0x0  }
.LBB2_2:
0x6c: {  	s19 =	sadd.s32 s16, s19  }
0x6d: {  	s18 =	sadd.s32 $0x400, s18;
	s20 =	smov.u32 s17;
	s19 =	sshrl.u32 s19, $0x4  }
0x6e: {  	s16 =	smov.u32 s20;
	s20 =	sand.u32 $0x3C00, s18;
	s21 =	sshll.u32 s19, $0xE  }
0x6f: {  	s21 =	sor.u32 s20, s21  }
0x70: {  	s22 =	rddreg [dreg:$0x3];
	s21 =	sshrl.u32 s21, $0x3  }
0x71: {  	[sflag:s14] =	ssyncadd.s32 $0xFFFF8000;
	s21 =	sadd.s32 s22, s21  }
0x72: {  	[tilespmem:s2], [sflag:$0x1] =	stream.linear.gather [hbm4b:s21+s2], $0x80, $0x38;
	[tilespmem:$0x8400] =	vst v63  }
0x73: {  	s22 =	sadd.s32 $0x10, s21  }
0x74: {  	[tilespmem:s5], [sflag:$0x1] =	stream.linear.gather [hbm4b:s22+s2], $0x80, $0x38;
	[tilespmem:$0x8400] =	vst v63  }
0x75: {  	s26 =	sadd.s32 $0x20, s21  }
0x76: {  	[tilespmem:s6], [sflag:$0x1] =	stream.linear.gather [hbm4b:s26+s2], $0x80, $0x38;
	[tilespmem:$0x8400] =	vst v63  }
0x77: {  	s28 =	sadd.s32 $0x30, s21  }
0x78: {  	[tilespmem:s7], [sflag:$0x1] =	stream.linear.gather [hbm4b:s28+s2], $0x80, $0x38;
	[tilespmem:$0x8400] =	vst v63  }
0x79: {  	s29 =	sadd.s32 $0x40, s21  }
0x7a: {  	[tilespmem:s8], [sflag:$0x1] =	stream.linear.gather [hbm4b:s29+s2], $0x80, $0x38;
	[tilespmem:$0x8400] =	vst v63  }
0x7b: {  	s30 =	sadd.s32 $0x50, s21  }
0x7c: {  	[tilespmem:s9], [sflag:$0x1] =	stream.linear.gather [hbm4b:s30+s2], $0x80, $0x38;
	[tilespmem:$0x8400] =	vst v63  }
0x7d: {  	s31 =	sadd.s32 $0x60, s21  }
0x7e: {  	[tilespmem:s10], [sflag:$0x1] =	stream.linear.gather [hbm4b:s31+s2], $0x80, $0x38;
	[tilespmem:$0x8400] =	vst v63  }
0x7f: {  	s21 =	sadd.s32 $0x70, s21  }
0x80: {  	[tilespmem:s11], [sflag:$0x1] =	stream.linear.gather [hbm4b:s21+s2], $0x80, $0x38;
	[tilespmem:$0x8400] =	vst v63  }
0x81: {  	_ =	swait.ge [sflag:s12], $0x80  }
0x82: {  	[sflag:s12] =	ssyncset.done $0x0  }
0x83: {  	[sflag:s12] =	ssyncadd.s32 $0xFFFFFF80  }
0x84: {  	_ =	swait.ge [sflag:s12], $0x80  }
0x85: {  	[sflag:s12] =	ssyncset.done $0x0  }
0x86: {  	[sflag:s12] =	ssyncadd.s32 $0xFFFFFF80  }
0x87: {  	_ =	swait.ge [sflag:s12], $0x80  }
0x88: {  	[sflag:s12] =	ssyncset.done $0x0  }
0x89: {  	[sflag:s12] =	ssyncadd.s32 $0xFFFFFF80  }
0x8a: {  	_ =	swait.ge [sflag:s12], $0x80  }
0x8b: {  	[sflag:s12] =	ssyncset.done $0x0  }
0x8c: {  	[sflag:s12] =	ssyncadd.s32 $0xFFFFFF80  }
0x8d: {  	_ =	swait.ge [sflag:s12], $0x80  }
0x8e: {  	[sflag:s12] =	ssyncset.done $0x0  }
0x8f: {  	[sflag:s12] =	ssyncadd.s32 $0xFFFFFF80  }
0x90: {  	_ =	swait.ge [sflag:s12], $0x80  }
0x91: {  	[sflag:s12] =	ssyncset.done $0x0  }
0x92: {  	[sflag:s12] =	ssyncadd.s32 $0xFFFFFF80  }
0x93: {  	_ =	swait.ge [sflag:s12], $0x80  }
0x94: {  	[sflag:s12] =	ssyncset.done $0x0  }
0x95: {  	[sflag:s12] =	ssyncadd.s32 $0xFFFFFF80  }
0x96: {  	s23 =	smul.u32 $0x61A80, s19;
	_ =	swait.ge [sflag:s12], $0x80  }
0x97: {  	s22 =	rddreg [dreg:$0x4];
	[sflag:s12] =	ssyncset.done $0x0  }
0x98: {  	[sflag:s12] =	ssyncadd.s32 $0xFFFFFF80;
	s21 =	sadd.s32 s22, s23  }
0x99: {  	[tilespmem:s13], [sflag:$0x1] =	stream.indirect.gather [hbm4b:s21+s5], $0x20, s2, s5, $0xb8;
	[tilespmem:$0x8400] =	vst v63  }
0x9a: {  	s24 =	rddreg [dreg:$0x7]  }
0x9b: {  	[tilespmem:s24], [sflag:$0x1] =	stream.indirect.gather [hbm4b:s21+s5], $0x20, s5, s5, $0xb8;
	[tilespmem:$0x8400] =	vst v63  }
0x9c: {  	s23 =	rddreg [dreg:$0x8]  }
0x9d: {  	[tilespmem:s23], [sflag:$0x1] =	stream.indirect.gather [hbm4b:s21+s5], $0x20, s6, s5, $0xb8;
	[tilespmem:$0x8400] =	vst v63  }
0x9e: {  	s25 =	rddreg [dreg:$0x9]  }
0x9f: {  	[tilespmem:s25], [sflag:$0x1] =	stream.indirect.gather [hbm4b:s21+s5], $0x20, s7, s5, $0xb8;
	[tilespmem:$0x8400] =	vst v63  }
0xa0: {  	s26 =	rddreg [dreg:$0xa]  }
0xa1: {  	[tilespmem:s26], [sflag:$0x1] =	stream.indirect.gather [hbm4b:s21+s5], $0x20, s8, s5, $0xb8;
	[tilespmem:$0x8400] =	vst v63  }
0xa2: {  	s28 =	rddreg [dreg:$0xb]  }
0xa3: {  	[tilespmem:s28], [sflag:$0x1] =	stream.indirect.gather [hbm4b:s21+s5], $0x20, s9, s5, $0xb8;
	[tilespmem:$0x8400] =	vst v63  }
0xa4: {  	s29 =	rddreg [dreg:$0xc]  }
0xa5: {  	[tilespmem:s29], [sflag:$0x1] =	stream.indirect.gather [hbm4b:s21+s5], $0x20, s10, s5, $0xb8;
	[tilespmem:$0x8400] =	vst v63  }
0xa6: {  	s30 =	rddreg [dreg:$0xd]  }
0xa7: {  	[tilespmem:s30], [sflag:$0x1] =	stream.indirect.gather [hbm4b:s21+s5], $0x20, s11, s5, $0xb8;
	[tilespmem:$0x8400] =	vst v63  }
0xa8: {  	_ =	swait.ge [sflag:s12], $0x1000  }
0xa9: {  	[sflag:s12] =	ssyncset.done $0x0  }
0xaa: {  	[sflag:s12] =	ssyncadd.s32 $0xFFFFF000  }
0xab: {  	_ =	swait.ge [sflag:s12], $0x1000  }
0xac: {  	[sflag:s12] =	ssyncset.done $0x0  }
0xad: {  	[sflag:s12] =	ssyncadd.s32 $0xFFFFF000  }
0xae: {  	_ =	swait.ge [sflag:s12], $0x1000  }
0xaf: {  	[sflag:s12] =	ssyncset.done $0x0  }
0xb0: {  	[sflag:s12] =	ssyncadd.s32 $0xFFFFF000  }
0xb1: {  	_ =	swait.ge [sflag:s12], $0x1000  }
0xb2: {  	[sflag:s12] =	ssyncset.done $0x0  }
0xb3: {  	[sflag:s12] =	ssyncadd.s32 $0xFFFFF000  }
0xb4: {  	_ =	swait.ge [sflag:s12], $0x1000  }
0xb5: {  	[sflag:s12] =	ssyncset.done $0x0  }
0xb6: {  	[sflag:s12] =	ssyncadd.s32 $0xFFFFF000  }
0xb7: {  	_ =	swait.ge [sflag:s12], $0x1000  }
0xb8: {  	[sflag:s12] =	ssyncset.done $0x0  }
0xb9: {  	[sflag:s12] =	ssyncadd.s32 $0xFFFFF000  }
0xba: {  	_ =	swait.ge [sflag:s12], $0x1000  }
0xbb: {  	[sflag:s12] =	ssyncset.done $0x0  }
0xbc: {  	[sflag:s12] =	ssyncadd.s32 $0xFFFFF000  }
0xbd: {  	p0 =	sne.s32 s17, $0xC;
	_ =	swait.ge [sflag:s12], $0x1000  }
0xbe: {  	s19 =	sshll.u32 s19, $0x10;
	s20 =	sshll.u32 s20, $0x2;
	s31 =	rddreg [dreg:$0x5]  }
.Ltmp0:
0xbf: {  	[sflag:s12] =	ssyncset.done $0x0;
	s19 =	sadd.s32 s31, s19;
	(pc) =	sbr.rel @p0 .LBB2_2-.Ltmp0, $4  }
0xc0: {  	[sflag:s12] =	ssyncadd.s32 $0xFFFFF000;
	s19 =	sadd.s32 s20, s19  }
0xc1: {  	[hbm4b:s19+s2] =	stream.linear.scatter [tilespmem:s13], [sflag:$0x2], $0x8000, $0x38;
	[tilespmem:$0x8400] =	vst v63  }
0xc2: {  	_ =	swait.ge [sflag:s14], $0x8000  }
0xc3: {  	s17 =	sadd.s32 $0x1, s17;
	s19 =	rddreg [dreg:$0x6];
	[sflag:s14] =	ssyncset.done $0x0  }
0xc4: {  	s16 =	sadd.s32 s16, s19  }
0xc5: {  	s17 =	sadd.s32 $0x400, s18;
	s16 =	sshrl.u32 s16, $0x4  }
0xc6: {  	s17 =	sand.u32 $0x3C00, s17;
	s26 =	sshll.u32 s16, $0xE  }
0xc7: {  	s18 =	sor.u32 s17, s26  }
0xc8: {  	s28 =	rddreg [dreg:$0x3];
	s18 =	sshrl.u32 s18, $0x3  }
0xc9: {  	[sflag:s14] =	ssyncadd.s32 $0xFFFF8000;
	s18 =	sadd.s32 s28, s18  }
0xca: {  	[tilespmem:s2], [sflag:$0x1] =	stream.linear.gather [hbm4b:s18+s2], $0x80, $0x38;
	[tilespmem:$0x8400] =	vst v63  }
0xcb: {  	s19 =	sadd.s32 $0x10, s18  }
0xcc: {  	[tilespmem:s5], [sflag:$0x1] =	stream.linear.gather [hbm4b:s19+s2], $0x80, $0x38;
	[tilespmem:$0x8400] =	vst v63  }
0xcd: {  	s29 =	sadd.s32 $0x20, s18  }
0xce: {  	[tilespmem:s6], [sflag:$0x1] =	stream.linear.gather [hbm4b:s29+s2], $0x80, $0x38;
	[tilespmem:$0x8400] =	vst v63  }
0xcf: {  	s30 =	sadd.s32 $0x30, s18  }
0xd0: {  	[tilespmem:s7], [sflag:$0x1] =	stream.linear.gather [hbm4b:s30+s2], $0x80, $0x38;
	[tilespmem:$0x8400] =	vst v63  }
0xd1: {  	s31 =	sadd.s32 $0x40, s18  }
0xd2: {  	[tilespmem:s8], [sflag:$0x1] =	stream.linear.gather [hbm4b:s31+s2], $0x80, $0x38;
	[tilespmem:$0x8400] =	vst v63  }
0xd3: {  	s20 =	sadd.s32 $0x50, s18  }
0xd4: {  	[tilespmem:s9], [sflag:$0x1] =	stream.linear.gather [hbm4b:s20+s2], $0x80, $0x38;
	[tilespmem:$0x8400] =	vst v63  }
0xd5: {  	s21 =	sadd.s32 $0x60, s18  }
0xd6: {  	[tilespmem:s10], [sflag:$0x1] =	stream.linear.gather [hbm4b:s21+s2], $0x80, $0x38;
	[tilespmem:$0x8400] =	vst v63  }
0xd7: {  	s18 =	sadd.s32 $0x70, s18  }
0xd8: {  	[tilespmem:s11], [sflag:$0x1] =	stream.linear.gather [hbm4b:s18+s2], $0x80, $0x38;
	[tilespmem:$0x8400] =	vst v63  }
0xd9: {  	_ =	swait.ge [sflag:s12], $0x80  }
0xda: {  	[sflag:s12] =	ssyncset.done $0x0  }
0xdb: {  	[sflag:s12] =	ssyncadd.s32 $0xFFFFFF80  }
0xdc: {  	_ =	swait.ge [sflag:s12], $0x80  }
0xdd: {  	[sflag:s12] =	ssyncset.done $0x0  }
0xde: {  	[sflag:s12] =	ssyncadd.s32 $0xFFFFFF80  }
0xdf: {  	_ =	swait.ge [sflag:s12], $0x80  }
0xe0: {  	[sflag:s12] =	ssyncset.done $0x0  }
0xe1: {  	[sflag:s12] =	ssyncadd.s32 $0xFFFFFF80  }
0xe2: {  	_ =	swait.ge [sflag:s12], $0x80  }
0xe3: {  	[sflag:s12] =	ssyncset.done $0x0  }
0xe4: {  	[sflag:s12] =	ssyncadd.s32 $0xFFFFFF80  }
0xe5: {  	_ =	swait.ge [sflag:s12], $0x80  }
0xe6: {  	[sflag:s12] =	ssyncset.done $0x0  }
0xe7: {  	[sflag:s12] =	ssyncadd.s32 $0xFFFFFF80  }
0xe8: {  	_ =	swait.ge [sflag:s12], $0x80  }
0xe9: {  	[sflag:s12] =	ssyncset.done $0x0  }
0xea: {  	[sflag:s12] =	ssyncadd.s32 $0xFFFFFF80  }
0xeb: {  	_ =	swait.ge [sflag:s12], $0x80  }
0xec: {  	[sflag:s12] =	ssyncset.done $0x0  }
0xed: {  	[sflag:s12] =	ssyncadd.s32 $0xFFFFFF80  }
0xee: {  	s23 =	smul.u32 $0x61A80, s16;
	_ =	swait.ge [sflag:s12], $0x80  }
0xef: {  	s22 =	rddreg [dreg:$0x4];
	[sflag:s12] =	ssyncset.done $0x0  }
0xf0: {  	[sflag:s12] =	ssyncadd.s32 $0xFFFFFF80;
	s18 =	sadd.s32 s22, s23  }
0xf1: {  	[tilespmem:s13], [sflag:$0x1] =	stream.indirect.gather [hbm4b:s18+s5], $0x20, s2, s5, $0xb8;
	[tilespmem:$0x8400] =	vst v63  }
0xf2: {  	s24 =	rddreg [dreg:$0x7]  }
0xf3: {  	[tilespmem:s24], [sflag:$0x1] =	stream.indirect.gather [hbm4b:s18+s5], $0x20, s5, s5, $0xb8;
	[tilespmem:$0x8400] =	vst v63  }
0xf4: {  	s20 =	rddreg [dreg:$0x8]  }
0xf5: {  	[tilespmem:s20], [sflag:$0x1] =	stream.indirect.gather [hbm4b:s18+s5], $0x20, s6, s5, $0xb8;
	[tilespmem:$0x8400] =	vst v63  }
0xf6: {  	s25 =	rddreg [dreg:$0x9]  }
0xf7: {  	[tilespmem:s25], [sflag:$0x1] =	stream.indirect.gather [hbm4b:s18+s5], $0x20, s7, s5, $0xb8;
	[tilespmem:$0x8400] =	vst v63  }
0xf8: {  	s26 =	rddreg [dreg:$0xa]  }
0xf9: {  	[tilespmem:s26], [sflag:$0x1] =	stream.indirect.gather [hbm4b:s18+s5], $0x20, s8, s5, $0xb8;
	[tilespmem:$0x8400] =	vst v63  }
0xfa: {  	s28 =	rddreg [dreg:$0xb]  }
0xfb: {  	[tilespmem:s28], [sflag:$0x1] =	stream.indirect.gather [hbm4b:s18+s5], $0x20, s9, s5, $0xb8;
	[tilespmem:$0x8400] =	vst v63  }
0xfc: {  	s29 =	rddreg [dreg:$0xc]  }
0xfd: {  	[tilespmem:s29], [sflag:$0x1] =	stream.indirect.gather [hbm4b:s18+s5], $0x20, s10, s5, $0xb8;
	[tilespmem:$0x8400] =	vst v63  }
0xfe: {  	s30 =	rddreg [dreg:$0xd]  }
0xff: {  	[tilespmem:s30], [sflag:$0x1] =	stream.indirect.gather [hbm4b:s18+s5], $0x20, s11, s5, $0xb8;
	[tilespmem:$0x8400] =	vst v63  }
0x100: {  	_ =	swait.ge [sflag:s12], $0x1000  }
0x101: {  	[sflag:s12] =	ssyncset.done $0x0  }
0x102: {  	[sflag:s12] =	ssyncadd.s32 $0xFFFFF000  }
0x103: {  	_ =	swait.ge [sflag:s12], $0x1000  }
0x104: {  	[sflag:s12] =	ssyncset.done $0x0  }
0x105: {  	[sflag:s12] =	ssyncadd.s32 $0xFFFFF000  }
0x106: {  	_ =	swait.ge [sflag:s12], $0x1000  }
0x107: {  	[sflag:s12] =	ssyncset.done $0x0  }
0x108: {  	[sflag:s12] =	ssyncadd.s32 $0xFFFFF000  }
0x109: {  	_ =	swait.ge [sflag:s12], $0x1000  }
0x10a: {  	[sflag:s12] =	ssyncset.done $0x0  }
0x10b: {  	[sflag:s12] =	ssyncadd.s32 $0xFFFFF000  }
0x10c: {  	_ =	swait.ge [sflag:s12], $0x1000  }
0x10d: {  	[sflag:s12] =	ssyncset.done $0x0  }
0x10e: {  	[sflag:s12] =	ssyncadd.s32 $0xFFFFF000  }
0x10f: {  	_ =	swait.ge [sflag:s12], $0x1000  }
0x110: {  	[sflag:s12] =	ssyncset.done $0x0  }
0x111: {  	[sflag:s12] =	ssyncadd.s32 $0xFFFFF000  }
0x112: {  	_ =	swait.ge [sflag:s12], $0x1000  }
0x113: {  	[sflag:s12] =	ssyncset.done $0x0  }
0x114: {  	[sflag:s12] =	ssyncadd.s32 $0xFFFFF000  }
0x115: {  	s15 =	sadd.s32 $0x1, s15;
	_ =	swait.ge [sflag:s12], $0x1000  }
0x116: {  	p0 =	sne.s32 s15, s3;
	s16 =	sshll.u32 s16, $0x10;
	s31 =	rddreg [dreg:$0x5]  }
0x117: {  	s17 =	sshll.u32 s17, $0x2;
	[sflag:s12] =	ssyncset.done $0x0;
	s16 =	sadd.s32 s31, s16  }
.Ltmp1:
0x118: {  	[sflag:s12] =	ssyncadd.s32 $0xFFFFF000;
	s16 =	sadd.s32 s17, s16;
	(pc) =	sbr.rel @p0 .LBB2_1-.Ltmp1, $4  }
0x119: {  	[hbm4b:s16+s2] =	stream.linear.scatter [tilespmem:s13], [sflag:$0x2], $0x8000, $0x38;
	[tilespmem:$0x8400] =	vst v63  }
0x11a: {  	_ =	swait.ge [sflag:s14], $0x8000  }
0x11b: {  	[sflag:s14] =	ssyncset.done $0x0  }
0x11c: {  	[sflag:s14] =	ssyncadd.s32 $0xFFFF8000  }
0x11d: {  	_ =	sfence.sel $0x180000  }
0x11e: {  	[bflag:$0x0] =	sbarrier.arrive $0xFFFF  }
0x11f: {  	p0 =	sne.s32 s1, $0x0;
	_ =	strace $0x90000047  }
0x120: {  	s0 =	sadd.s32 @!p0 $0x100000, s0;
	[bflag:$0x2] =	sbarrier.arrive $0xFFFF  }
0x121: {  	[sflag:s0] =	ssyncadd.tile.s32 @!p0 $0x1;
	_ =	shalt  }
.Lfunc_end2:
_tile_overlayer_lowered:
.L_overlay_start_2:
0x122: {  	(tag) =	ssettag $0x2  }
0x123: {  	s0 =	rddreg [dreg:$0x0];
	s2 =	stileid.u32  }
0x124: {  	s1 =	rddreg [dreg:$0x1];
	p0 =	sne.s32 s2, $0x0  }
0x125: {  	s3 =	rddreg [dreg:$0x2];
	[bflag:$0x3] =	sbarrier.arrive $0xFFFF;
	s2 =	simm.s32 @!p0 $0x1C02  }
0x126: {  	[timem:s3], [sflag:s2] =	dma.local @!p0 [hbm:s0], s1  }
0x127: {  	s0 =	simm.s32 @!p0 $0x2  }
0x128: {  	_ =	swait.ge @!p0 [sflag:s0], s1  }
0x129: {  	s1 =	ssub.s32 @!p0 $0x0, s1;
	[sflag:s0] =	ssyncset.done @!p0 $0x0  }
0x12a: {  	[sflag:s0] =	ssyncadd.s32 @!p0 s1  }
0x12b: {  	[bflag:$0x3] =	sbarrier.arrive $0xFFFF  }
0x12c: {  	_ =	shalt  }

// kernel: sparse-core-data-format-call.cloned.1.call-start
scs
called_computation_lowered:
.L_overlay_start_0:
0x0: {  	s2 =	sld [smem:$0x3FD9]  }
0x1: {  	s3 =	sld [smem:$0x3FFE];
	_ =	sdelay $0x1  }
0x2: {  	s1 =	srdreg.scid  }
0x3: {  	s0 =	sand.u32 $0x1, s1  }
0x4: {  	s18 =	sshll.u32 s0, $0xA;
	s2 =	sadd.s32 s3, s2  }
0x5: {  	s2 =	sadd.s32 s2, s18  }
0x6: {  	[smem:$0x3FC6] =	sst s2  }
0x7: {  	_ = 	snop  }
0x8: {  	s2 =	sld [smem:$0x3FD0];
	(tm) =	ssettm $0x1  }
0x9: {  	s19 =	sld [smem:$0x3FFB];
	_ =	sdelay $0x3  }
0xa: {  	_ =	strace s19  }
0xb: {  	s3 =	sld [smem:$0x3FFC];
	_ =	sdelay $0x3  }
0xc: {  	_ =	strace s3  }
0xd: {  	s3 =	sld [smem:$0x3FFD];
	_ =	sdelay $0x3  }
0xe: {  	_ =	strace s3  }
0xf: {  	_ =	strace $0x8FFFFFFF  }
0x10: {  	s20 =	sld [smem:$0x3FDB];
	_ =	sdelay $0x1  }
0x11: {  	s4 =	simm.s32 $_scs_section_size  }
0x12: {  	s5 =	simm.s32 $_size__tile_overlayer_lowered;
	s6 =	simm.s32 $_tile_overlayer_lowered  }
0x13: {  	s23 =	simm.s32 $0x1BFF;
	s22 =	sshll.u32 s6, $0x1;
	s3 =	sadd.s32 s4, s20  }
0x14: {  	s7 =	simm.s32 $0x0;
	s21 =	sshll.u32 s5, $0x1;
	s5 =	sadd.s32 s22, s3  }
0x15: {  	[timem:s7], [sflag:s23] =	dma.local [hbm:s5], s21  }
0x16: {  	_ =	swait.ge [sflag:s23], s21  }
0x17: {  	s4 =	ssub.s32 $0x0, s21;
	[sflag:s23] =	ssyncset.done $0x0  }
0x18: {  	[sflag:s23] =	ssyncadd.s32 s4;
	_ =	sdelay $0x1  }
0x19: {  	s24 =	simm.s32 $0x1B8B  }
0x1a: {  	_ =	swait.ge [sflag:s24], $0x1  }
0x1b: {  	[sflag:s24] =	ssyncset.done $0x0  }
0x1c: {  	s26 =	simm.s32 $0x1B8E;
	s25 =	sld [smem:$0x3FFE];
	[sflag:s24] =	ssyncadd.s32 $0xFFFFFFFF  }
0x1d: {  	s27 =	simm.s32 $execute0_lowered;
	[smem:$0x3FD2] =	sst s26  }
0x1e: {  	s5 =	sshll.u32 s27, $0x1;
	_ =	strace $0x80000049;
	[dreg:$0x1] =	wrdreg $0xFFFFFFFF  }
0x1f: {  	s28 =	simm.s32 $_size_execute0_lowered;
	s3 =	sadd.s32 s3, s5;
	[dreg:$0x0] =	wrdreg $0x0  }
0x20: {  	s5 =	sshll.u32 s28, $0x1;
	[dreg:$0x2] =	wrdreg s3  }
0x21: {  	[dreg:$0x3] =	wrdreg s5  }
0x22: {  	[dreg:$0x4] =	wrdreg $0xC0  }
0x23: {  	_ =	task [dreg:s7], $0x5FFFF  }
0x24: {  	[dreg:$0x1] =	wrdreg $0xFFFFFFFF  }
0x25: {  	[dreg:$0x0] =	wrdreg $0x60  }
0x26: {  	[dreg:$0x2] =	wrdreg s25  }
0x27: {  	[dreg:$0x3] =	wrdreg s2  }
0x28: {  	[dreg:$0x4] =	wrdreg $0x9  }
0x29: {  	_ =	task.clear_ibuf [dreg:s7], $0x5FFFF;
	_ =	strace $0x90000049  }
0x2a: {  	s29 =	simm.s32 $0x9;
	_ =	strace $0x8000004B  }
0x2b: {  	_ =	swait.ge [sflag:s29], $0x1  }
0x2c: {  	[sflag:s29] =	ssyncadd.s32 $0xFFFFFFFF  }
0x2d: {  	_ =	strace $0x9000004B  }
0x2e: {  	_ =	sfence  }
0x2f: {  	s30 =	sld [smem:$0x0];
	_ =	sdelay $0x2  }
0x30: {  	s31 =	sshll.u32 s1, $0xD;
	s1 =	sshrl.u32 s1, $0x2  }
0x31: {  	s3 =	sand.u32 $0x4000, s31;
	s1 =	sadd.s32 s1, s30  }
0x32: {  	s0 =	sor.u32 s3, s0;
	s1 =	sshll.u32 s1, $0x11  }
0x33: {  	s0 =	sor.u32 s1, s0  }
0x34: {  	s0 =	sadd.s32 $0x8F2B, s0  }
0x35: {  	[sflag:s0] =	ssyncadd.remote.s32 $0x1  }
0x36: {  	_ =	sfence.sel $0xFFFF  }
0x37: {  	[dreg:$0x0] =	wrdreg $0xFFFFFFFF;
	(pc) =	sbr.abs _section_cstart, $3  }
0x38: {  	[dreg:$0x1] =	wrdreg $0xFFFFFFFF  }
0x39: {  	_ =	task.clear_ibuf [dreg:s7], $0x2FFFF;
	_ =	strace $0x9FFFFFFF  }
0x3a: {  	(tm) =	ssettm $0x7FFFFFFF  }
0x3b: {  	_ =	shalt  }
tec
execute0_lowered:
.L_overlay_start_1:
0x0: {  	(tag) =	ssettag $0x1  }
0x1: {  	s0 =	srdreg.scid  }
0x2: {  	s1 =	sshll.u32 s0, $0x4  }
0x3: {  	s0 =	stileid.u32;
	s1 =	sand.u32 $0x10, s1  }
0x4: {  	s7 =	rddreg [dreg:$0x0];
	s1 =	sor.u32 s0, s1  }
0x5: {  	s4 =	simm.s32 $0x1;
	s8 =	simm.s32 $0x2;
	s2 =	sshll.u32 s1, $0x7  }
0x6: {  	s13 =	simm.s32 $0x0;
	s9 =	simm.s32 $0x20000;
	s1 =	ssub.s32 $0x4000, s2  }
0x7: {  	s14 =	simm.s32 $0x0;
	s11 =	simm.s32 $0x0;
	s3 =	sand.u32 $0xF80, s1  }
0x8: {  	s12 =	simm.s32 $0x0;
	s5 =	sshrl.u32 s1, $0xC;
	p0 =	sne.s32 s3, $0x0  }
.Ltmp0:
0x9: {  	s1 =	rddreg [dreg:$0x2];
	s4 =	simm.s32 @!p0 $0x0;
	(pc) =	sbr.rel .LBB1_1-.Ltmp0, $4  }
0xa: {  	s6 =	sadd.s32 $0xA00, s7;
	s3 =	rddreg [dreg:$0x1];
	s5 =	sadd.s32 s4, s5  }
0xb: {  	_ =	strace $0x8000004A;
	s4 =	simm.s32 $0x1;
	s5 =	smul.u32 $0xD, s5  }
0xc: {  	s7 =	sadd.s32 $0x40A00, s7;
	s10 =	smov.u32 s2;
	[sflag:s4] =	ssyncpa.u1 $0x0  }
0xd: {  	p0 =	por $0x0, $0x0;
	[sflag:s8] =	ssyncpa.u1 $0x0;
	s8 =	sadd.s32 $0x1, s5  }
.LBB1_7:
0xe: {  	s15 =	sadd.s32 $0x1000, s10  }
0xf: {  	s13 =	sadd.s32 $0x2, s11;
	s17 =	smov.u32 s11;
	p2 =	sgt.s32 s15, $0x3FFF  }
0x10: {  	s17 =	smov.u32 @p2 s13  }
0x11: {  	s15 =	smov.u32 @p2 s2;
	p2 =	sgt.s32 s17, $0x19  }
0x12: {  	s17 =	simm.s32 @p2 $0x0;
	p2 =	sne.s32 s12, s8  }
.Ltmp1:
0x13: {  	p1 =	slt.u32 s12, $0x2;
	(pc) =	sbr.rel @!p2 .LBB1_8-.Ltmp1, $4  }
0x14: {  	s16 =	simm.s32 @!p1 $0x2  }
0x15: {  	s14 =	smov.u32 s11;
	p0 =	por !p0, !p0;
	_ =	swait.ge @!p1 [sflag:s16], $0x2000  }
0x16: {  	s13 =	smov.u32 s10;
	[sflag:s16] =	ssyncset.done @!p1 $0x0;
	s10 =	smov.u32 s15  }
0x17: {  	s12 =	sadd.s32 $0x1, s12;
	[sflag:s16] =	ssyncadd.s32 @!p1 $0xFFFFE000;
	s11 =	smov.u32 s17  }
.LBB1_1:
0x18: {  	p1 =	sge.u32 s12, s5  }
0x19: {  	s15 =	sxor.u32 @!p1 $0xFFFFFFFF, s12;
	s16 =	sshll.u32 @!p1 s11, $0x12  }
0x1a: {  	s17 =	sshll.u32 @!p1 s10, $0x4;
	s19 =	simm.s32 @!p1 $0x20;
	s20 =	simm.s32 @!p1 $0x80  }
0x1b: {  	s15 =	sshll.u32 @!p1 s15, $0xD;
	s17 =	sand.u32 @!p1 $0x3FFF0, s17;
	s18 =	sadd.s32 @!p1 s6, s16  }
0x1c: {  	s16 =	sadd.s32 @!p1 s16, s7;
	s15 =	sand.u32 @!p1 $0x2000, s15;
	s18 =	sadd.s32 @!p1 s17, s18  }
0x1d: {  	[tilespmem:s15], [sflag:$0x1] =	stream.strided.gather @!p1 [hbm4b:s18+s19], $0x1000, s20, s19, $0x38;
	[tilespmem:$0x8080] =	vst v63  }
0x1e: {  	s31 =	sadd.s32 $0xFFFFFFFF, s12;
	s16 =	sadd.s32 @!p1 s17, s16;
	s15 =	sor.u32 @!p1 $0x1000, s15  }
0x1f: {  	[tilespmem:s15], [sflag:$0x1] =	stream.strided.gather @!p1 [hbm4b:s16+s19], $0x1000, s20, s19, $0x38;
	[tilespmem:$0x8080] =	vst v63  }
0x20: {  	p1 =	sge.u32 s31, s5  }
.Ltmp2:
0x21: {  	_ = 	snop;
	(pc) =	sbr.rel @p1 .LBB1_7-.Ltmp2, $1  }
0x22: {  	_ =	sdelay $0x3  }
0x23: {  	s15 =	simm.s32 $0x1;
	s17 =	sand.u32 $0x1, s12  }
0x24: {  	_ =	swait.ge [sflag:s4], $0x2000;
	s15 =	simm.s32 @!p0 $0x0;
	s17 =	smul.u32 $0x8100, s17  }
0x25: {  	p2 =	por $0x1, $0x1;
	[sflag:s4] =	ssyncset.done $0x0;
	s16 =	smul.u32 $0x8100, s15  }
0x26: {  	s18 =	sshll.u32 s15, $0xF;
	[sflag:s4] =	ssyncadd.s32 $0xFFFFE000;
	s30 =	sshrl.u32 s17, $0x2  }
0x27: {  	s31 =	sshrl.u32 s18, $0x2;
	s18 =	simm.s32 $0x0;
	s16 =	sshrl.u32 s16, $0x2  }
0x28: {  	s15 =	sor.u32 $0x4000, s30;
	s17 =	sadd.s32 $0x10, s31;
	s16 =	sor.u32 $0x4000, s16  }
.LBB1_3:
0x29: {  	s19 =	sshll.u32 s18, $0xC  }
0x2a: {  	s19 =	sand.u32 $0x3FFFF000, s19  }
0x2b: {  	s20 =	sadd.s32 s19, s17  }
0x2c: {  	s31 =	smul.u32 $0x4080, s18;
	v1 =	vld [tilespmem:s20+$0x0]  }
0x2d: {  	v0 =	vld [tilespmem:s20+$0xFFFFFFF0]  }
0x2e: {  	s18 =	sshra.s32 s31, $0x2  }
0x2f: {  	s18 =	sadd.s32 s18, s16  }
0x30: {  	s21 =	sadd.s32 $0x0, s18  }
0x31: {  	p1 =	por p2, p2;
	s19 =	simm.s32 $0x4;
	s20 =	sadd.s32 $0x20, s20;
	[tilespmem:s21+$0x810 ss:$0x81] =	vst.msk $0xffff, v1  }
.LBB1_4:
0x32: {  	v1 =	vld [tilespmem:s20+$0x0];
	p2 =	sne.s32 s19, $0x1FC;
	[tilespmem:s21+$0x0 ss:$0x81] =	vst.msk $0xffff, v0;
	s21 =	smov.u32 s19;
	s19 =	sadd.s32 $0x4, s19  }
.Ltmp3:
0x33: {  	v0 =	vld [tilespmem:s20+$0xFFFFFFF0];
	(pc) =	sbr.rel @p2 .LBB1_4-.Ltmp3, $4  }
0x34: {  	_ = 	snop  }
0x35: {  	s21 =	sshra.s32 s21, $0x2  }
0x36: {  	s21 =	sadd.s32 s21, s18  }
0x37: {  	s20 =	sadd.s32 $0x20, s20;
	[tilespmem:s21+$0x810 ss:$0x81] =	vst.msk $0xffff, v1  }
.Ltmp4:
0x38: {  	(pc) =	sbr.rel @p1 .LBB1_3-.Ltmp4, $2  }
0x39: {  	_ =	sdelay $0x2  }
0x3a: {  	[tilespmem:s21+$0x0 ss:$0x81] =	vst.msk $0xffff, v0;
	s18 =	simm.s32 $0x1;
	p2 =	por $0x0, $0x0  }
0x3b: {  	s16 =	sshll.u32 s13, $0x3;
	s17 =	sand.u32 $0x78, s13;
	s14 =	sshll.u32 s14, $0x10  }
.Ltmp5:
0x3c: {  	s30 =	sand.u32 $0xF800, s13;
	s16 =	sand.u32 $0x3C00, s16;
	(pc) =	sbr.rel .LBB1_7-.Ltmp5, $4  }
0x3d: {  	s31 =	sand.u32 $0x7, s13;
	s14 =	sadd.s32 s3, s14;
	s16 =	sor.u32 s17, s16  }
0x3e: {  	s13 =	sshll.u32 s31, $0x12;
	s14 =	sadd.s32 s30, s14;
	s16 =	sshrl.u32 s16, $0x3  }
0x3f: {  	s13 =	sor.u32 $0x400, s13;
	s14 =	sadd.s32 s16, s14  }
0x40: {  	[hbm4b:s14+s13] =	stream.strided.scatter [tilespmem:s15], [sflag:$0x2], $0x2000, s9, s13, $0x20;
	[tilespmem:$0x8080] =	vst v63  }
.LBB1_8:
0x41: {  	_ =	sfence.sel $0x180000  }
0x42: {  	s2 =	simm.s32 $0x1;
	[bflag:$0x0] =	sbarrier.arrive $0xFFFF  }
0x43: {  	s31 =	simm.s32 $0x2;
	[sflag:s2] =	ssyncpa.u1 $0x1  }
0x44: {  	[sflag:s31] =	ssyncpa.u1 $0x1  }
0x45: {  	p0 =	sne.s32 s0, $0x0;
	_ =	strace $0x9000004A  }
0x46: {  	s0 =	sadd.s32 @!p0 $0x100000, s1;
	[bflag:$0x2] =	sbarrier.arrive $0xFFFF  }
0x47: {  	[sflag:s0] =	ssyncadd.tile.s32 @!p0 $0x1;
	_ =	shalt  }
.Lfunc_end1:
_tile_overlayer_lowered:
.L_overlay_start_2:
0x48: {  	(tag) =	ssettag $0x2  }
0x49: {  	s0 =	rddreg [dreg:$0x0];
	s2 =	stileid.u32  }
0x4a: {  	s1 =	rddreg [dreg:$0x1];
	p0 =	sne.s32 s2, $0x0  }
0x4b: {  	s3 =	rddreg [dreg:$0x2];
	[bflag:$0x3] =	sbarrier.arrive $0xFFFF;
	s2 =	simm.s32 @!p0 $0x1C01  }
0x4c: {  	[timem:s3], [sflag:s2] =	dma.local @!p0 [hbm:s0], s1  }
0x4d: {  	s0 =	simm.s32 @!p0 $0x1  }
0x4e: {  	_ =	swait.ge @!p0 [sflag:s0], s1  }
0x4f: {  	s1 =	ssub.s32 @!p0 $0x0, s1;
	[sflag:s0] =	ssyncset.done @!p0 $0x0  }
0x50: {  	[sflag:s0] =	ssyncadd.s32 @!p0 s1  }
0x51: {  	[bflag:$0x3] =	sbarrier.arrive $0xFFFF  }
0x52: {  	_ =	shalt  }

</sc_bundles>
